<compile_context>
chip_gen: v7x
topology: tpu7x:2x2x1
jax: 0.10.2.dev20260603
libtpu: 0.0.44.dev20260713+nightly
codegen_flags: <defaults>
</compile_context>

<pallas_src>
import functools

import jax
import jax.numpy as jnp
from jax import lax
from jax.experimental import pallas as pl
from jax.experimental.pallas import tpu as pltpu
from jax.experimental.pallas import tpu_sc as plsc

B = 4096
L = 200
H = 64
OUT = 16
V = 1000000

NC = 2
NS = 16
NW = NC * NS
BPW = B // NW
NSPLIT = 2
LH = L // NSPLIT
UNROLL = 4
NBUF = 4

CB = 16384


def _mm_body(e_ref, w_ref, o_ref):
    wz = jnp.concatenate(
        [w_ref[...] * (1.0 / L), jnp.zeros((128 - OUT, H), jnp.float32)],
        axis=0,
    )
    o_ref[...] = lax.dot_general(
        e_ref[...], wz,
        dimension_numbers=(((0,), (1,)), ((), ())),
        preferred_element_type=jnp.float32,
    )


def _tc_fold(et, W):
    wide = pl.pallas_call(
        _mm_body,
        grid=(pl.cdiv(V, CB),),
        in_specs=[
            pl.BlockSpec((H, CB), lambda i: (0, i)),
            pl.BlockSpec((OUT, H), lambda i: (0, 0)),
        ],
        out_specs=pl.BlockSpec((CB, 128), lambda i: (i, 0)),
        out_shape=jax.ShapeDtypeStruct((V, 128), jnp.float32),
    )(et, W)
    return wide.reshape(V * 8, OUT)


def _issue_gathers(tab_hbm, idx_all, rows_v, sem, row, buf):
    for h in range(NSPLIT):
        pltpu.make_async_copy(
            tab_hbm.at[idx_all.at[row, h]], rows_v.at[buf, h], sem
        ).start()


def _wait_gathers(tab_hbm, idx_all, rows_v, sem, row, buf):
    for h in range(NSPLIT):
        pltpu.make_async_copy(
            tab_hbm.at[idx_all.at[row, h]], rows_v.at[buf, h], sem
        ).wait()


def _reduce_row(rows_v, acc_v, bias, i, buf):

    def body(j, a):
        for u in range(UNROLL):
            for h in range(NSPLIT):
                a = a + rows_v[buf, h, UNROLL * j + u, pl.ds(0, 16)]
        return a

    acc = lax.fori_loop(0, LH // UNROLL, body, bias)
    acc_v[i, pl.ds(0, 16)] = acc


def _sc_pool_body(x_hbm, tab_hbm, b_hbm, out_hbm,
                  idx_all, rows_v, acc_v, b_v, sem0, sem1, sem2, sem3):
    wid = lax.axis_index("s") * NC + lax.axis_index("c")
    base = wid * BPW

    pltpu.sync_copy(x_hbm.at[pl.ds(base, BPW)], idx_all)
    pltpu.sync_copy(b_hbm, b_v)
    bias = b_v[pl.ds(0, 16)]

    sems = (sem0, sem1, sem2, sem3)
    for bufi in range(NBUF):
        _issue_gathers(tab_hbm, idx_all, rows_v, sems[bufi], bufi, bufi)

    def ring_body(g, _):
        row = NBUF * g
        for bufi in range(NBUF):
            r = row + bufi
            _wait_gathers(tab_hbm, idx_all, rows_v, sems[bufi], r, bufi)

            @pl.when(r + NBUF < BPW)
            def _():
                _issue_gathers(tab_hbm, idx_all, rows_v, sems[bufi],
                               r + NBUF, bufi)

            _reduce_row(rows_v, acc_v, bias, r, bufi)
        return 0

    lax.fori_loop(0, BPW // NBUF, ring_body, 0)

    pltpu.sync_copy(acc_v, out_hbm.at[pl.ds(base, BPW)])


@functools.partial(
    pl.kernel,
    mesh=plsc.VectorSubcoreMesh(core_axis_name="c", subcore_axis_name="s"),
    compiler_params=pltpu.CompilerParams(use_tc_tiling_on_sc=False),
    out_type=jax.ShapeDtypeStruct((B, OUT), jnp.float32),
    scratch_types=[
        pltpu.VMEM((BPW, NSPLIT, LH), jnp.int32),
        pltpu.VMEM((NBUF, NSPLIT, LH, OUT), jnp.float32),
        pltpu.VMEM((BPW, OUT), jnp.float32),
        pltpu.VMEM((16,), jnp.float32),
        pltpu.SemaphoreType.DMA,
        pltpu.SemaphoreType.DMA,
        pltpu.SemaphoreType.DMA,
        pltpu.SemaphoreType.DMA,
    ],
)
def _sc_pool(x_hbm, tab_hbm, b_hbm, out_hbm,
             idx_all, rows_v, acc_v, b_v, sem0, sem1, sem2, sem3):
    _sc_pool_body(x_hbm, tab_hbm, b_hbm, out_hbm,
                  idx_all, rows_v, acc_v, b_v, sem0, sem1, sem2, sem3)


def kernel(x, emb, W, b):
    x32 = (x.astype(jnp.int32) * 8).reshape(B, NSPLIT, LH)
    tab = _tc_fold(emb.T, W)
    return _sc_pool(x32, tab, b)

# --- scband reference (transcript-rebuilt; emitter-appended) ---
"""Pipeline reference for scband-fast-text-61555471286808 (READ-ONLY COPY).

The authoritative reference and input builder live on the scoring server;
editing this copy changes nothing except your own understanding.
"""

import jax, jax.numpy as jnp
import numpy as np

VOCAB = 1000000
HIDDEN = 64
OUT = 16
B = 4096
L = 200

def setup_inputs(seed: int = 0) -> dict:
    key = jax.random.key(seed)
    k1, k2, k3, k4 = jax.random.split(key, 4)
    x = jax.random.randint(k1, (B, L), 0, VOCAB, dtype=jnp.int64)
    emb = jax.random.normal(k2, (VOCAB, HIDDEN), dtype=jnp.float32) * 0.02
    W = jax.random.normal(k3, (OUT, HIDDEN), dtype=jnp.float32) * (1.0 / np.sqrt(HIDDEN))
    b = jax.random.normal(k4, (OUT,), dtype=jnp.float32) * 0.01
    return {"x": x, "emb": emb, "W": W, "b": b}

def reference(x, emb, W, b):
    # embedding lookup (gather)
    e = jnp.take(emb, x, axis=0)  # [B, L, H]
    # F.avg_pool2d with kernel (L, 1) over [B, L, H] == mean over seq dim, then squeeze
    pooled = jnp.mean(e, axis=1)  # [B, H]
    # fc
    out = pooled @ W.T + b  # [B, OUT]
    return out

if __name__ == "__main__":
    import jax
    _d = setup_inputs()
    print(jax.jit(kernel)(*tuple(_d.values())))

</pallas_src>

<mosaic_0001>
#map = affine_map<(d0, d1) -> (0, 0, 0)>
#map1 = affine_map<(d0, d1) -> (0, 0)>
#map2 = affine_map<(d0, d1) -> (0)>
module attributes {stable_mosaic.version = 14 : i64} {
  func.func @_sc_pool(%arg0: i32, %arg1: i32, %arg2: memref<4096x2x100xi32, #tpu.memory_space<hbm>>, %arg3: memref<8000000x16xf32, #tpu.memory_space<hbm>>, %arg4: memref<16xf32, #tpu.memory_space<hbm>>, %arg5: memref<4096x16xf32, #tpu.memory_space<hbm>>, %arg6: memref<128x2x100xi32, #tpu.memory_space<vmem>>, %arg7: memref<4x2x100x16xf32, #tpu.memory_space<vmem>>, %arg8: memref<128x16xf32, #tpu.memory_space<vmem>>, %arg9: memref<16xf32, #tpu.memory_space<vmem>>, %arg10: memref<!tpu.dma_semaphore, #tpu.memory_space<semaphore_mem>>, %arg11: memref<!tpu.dma_semaphore, #tpu.memory_space<semaphore_mem>>, %arg12: memref<!tpu.dma_semaphore, #tpu.memory_space<semaphore_mem>>, %arg13: memref<!tpu.dma_semaphore, #tpu.memory_space<semaphore_mem>>) attributes {dimension_semantics = [#tpu.dimension_semantics<core_parallel>, #tpu.dimension_semantics<subcore_parallel>], iteration_bounds = array<i64: 2, 16>, scalar_prefetch = 0 : i64, scratch_operands = 8 : i64, tpu.core_type = #tpu.core_type<sc_vector_subcore>, window_params = [{transform_indices = #map}, {transform_indices = #map1}, {transform_indices = #map2}, {transform_indices = #map1}]} {
    %mul3A = arith.constant 2 : i32
    %mul3A_0 = arith.muli %arg1, %mul3A : i32
    %add3A = arith.addi %mul3A_0, %arg0 : i32
    %mul3A_1 = arith.constant 128 : i32
    %mul3A_2 = arith.muli %add3A, %mul3A_1 : i32
    "tpu.region"() ({
      %run_scoped3A = tpu.sem_alloc : memref<!tpu.dma_semaphore, #tpu.memory_space<semaphore_mem>>
      %dma_start3A_122 = arith.constant 0 : i32
      %dma_start3A_123 = arith.constant 0 : i32
      %dma_start3A_124 = tpu.memref_slice %arg2[%mul3A_2, %dma_start3A_122, %dma_start3A_123] : memref<4096x2x100xi32, #tpu.memory_space<hbm>> -> memref<128x2x100xi32, #tpu.memory_space<hbm>>
      %dma_start3A_125 = arith.constant 0 : i32
      %dma_start3A_126 = arith.constant 0 : i32
      %dma_start3A_127 = tpu.memref_slice %arg2[%mul3A_2, %dma_start3A_125, %dma_start3A_126] : memref<4096x2x100xi32, #tpu.memory_space<hbm>> -> memref<128x2x100xi32, #tpu.memory_space<hbm>>
      tpu.enqueue_dma source(%dma_start3A_127 : memref<128x2x100xi32, #tpu.memory_space<hbm>>) target(%arg6 : memref<128x2x100xi32, #tpu.memory_space<vmem>>) target_semaphore(%run_scoped3A : memref<!tpu.dma_semaphore, #tpu.memory_space<semaphore_mem>>)
      %dma_wait3A = arith.constant 0 : i32
      %dma_wait3A_128 = arith.constant 0 : i32
      %dma_wait3A_129 = tpu.memref_slice %arg2[%mul3A_2, %dma_wait3A, %dma_wait3A_128] : memref<4096x2x100xi32, #tpu.memory_space<hbm>> -> memref<128x2x100xi32, #tpu.memory_space<hbm>>
      %dma_wait3A_130 = arith.constant 0 : i32
      %dma_wait3A_131 = arith.constant 0 : i32
      %dma_wait3A_132 = tpu.memref_slice %arg2[%mul3A_2, %dma_wait3A_130, %dma_wait3A_131] : memref<4096x2x100xi32, #tpu.memory_space<hbm>> -> memref<128x2x100xi32, #tpu.memory_space<hbm>>
      tpu.wait_dma2 semaphore(%run_scoped3A : memref<!tpu.dma_semaphore, #tpu.memory_space<semaphore_mem>>) src(%dma_wait3A_132 : memref<128x2x100xi32, #tpu.memory_space<hbm>>) dst(%arg6 : memref<128x2x100xi32, #tpu.memory_space<vmem>>)
      tpu.yield
    }) : () -> ()
    "tpu.region"() ({
      %run_scoped3A = tpu.sem_alloc : memref<!tpu.dma_semaphore, #tpu.memory_space<semaphore_mem>>
      tpu.enqueue_dma source(%arg4 : memref<16xf32, #tpu.memory_space<hbm>>) target(%arg9 : memref<16xf32, #tpu.memory_space<vmem>>) target_semaphore(%run_scoped3A : memref<!tpu.dma_semaphore, #tpu.memory_space<semaphore_mem>>)
      tpu.wait_dma2 semaphore(%run_scoped3A : memref<!tpu.dma_semaphore, #tpu.memory_space<semaphore_mem>>) src(%arg4 : memref<16xf32, #tpu.memory_space<hbm>>) dst(%arg9 : memref<16xf32, #tpu.memory_space<vmem>>)
      tpu.yield
    }) : () -> ()
    %get3A = arith.constant 0 : index
    %get3A_3 = tpu.vector_load %arg9[%get3A] {strides = array<i32>} : memref<16xf32, #tpu.memory_space<vmem>>, vector<16xf32>,
    %get3A_4 = vector.shape_cast %get3A_3 : vector<16xf32> to vector<16xf32>
    %dma_start3A = arith.constant 0 : i32
    %dma_start3A_5 = arith.constant 0 : i32
    %dma_start3A_6 = arith.constant 0 : i32
    %dma_start3A_7 = arith.constant 0 : i32
    %dma_start3A_8 = arith.constant 0 : i32
    %dma_start3A_9 = arith.constant 0 : i32
    %dma_start3A_10 = tpu.memref_slice %arg7[%dma_start3A_6, %dma_start3A_7, %dma_start3A_8, %dma_start3A_9] : memref<4x2x100x16xf32, #tpu.memory_space<vmem>> -> memref<1x1x100x16xf32, #tpu.memory_space<vmem>>
    %dma_start3A_11 = tpu.memref_squeeze %dma_start3A_10 : memref<1x1x100x16xf32, #tpu.memory_space<vmem>> -> memref<100x16xf32, #tpu.memory_space<vmem>>
    %dma_start3A_12 = arith.constant 0 : i32
    %dma_start3A_13 = tpu.memref_slice %arg6[%dma_start3A, %dma_start3A_5, %dma_start3A_12] : memref<128x2x100xi32, #tpu.memory_space<vmem>> -> memref<1x1x100xi32, #tpu.memory_space<vmem>>
    %dma_start3A_14 = tpu.memref_squeeze %dma_start3A_13 : memref<1x1x100xi32, #tpu.memory_space<vmem>> -> memref<100xi32, #tpu.memory_space<vmem>>
    %dma_start3A_15 = arith.constant 0 : i32
    %dma_start3A_16 = arith.constant 0 : i32
    %dma_start3A_17 = tpu.memref_slice %arg3[%dma_start3A_15, %dma_start3A_16] : memref<8000000x16xf32, #tpu.memory_space<hbm>> -> memref<8000000x16xf32, #tpu.memory_space<hbm>>
    tpu.enqueue_indirect_dma source(%dma_start3A_17 : memref<8000000x16xf32, #tpu.memory_space<hbm>>) target(%dma_start3A_11 : memref<100x16xf32, #tpu.memory_space<vmem>>) offsets(%dma_start3A_14 : memref<100xi32, #tpu.memory_space<vmem>>) semaphore(%arg10 : memref<!tpu.dma_semaphore, #tpu.memory_space<semaphore_mem>>)
    %dma_start3A_18 = arith.constant 0 : i32
    %dma_start3A_19 = arith.constant 1 : i32
    %dma_start3A_20 = arith.constant 0 : i32
    %dma_start3A_21 = arith.constant 1 : i32
    %dma_start3A_22 = arith.constant 0 : i32
    %dma_start3A_23 = arith.constant 0 : i32
    %dma_start3A_24 = tpu.memref_slice %arg7[%dma_start3A_20, %dma_start3A_21, %dma_start3A_22, %dma_start3A_23] : memref<4x2x100x16xf32, #tpu.memory_space<vmem>> -> memref<1x1x100x16xf32, #tpu.memory_space<vmem>>
    %dma_start3A_25 = tpu.memref_squeeze %dma_start3A_24 : memref<1x1x100x16xf32, #tpu.memory_space<vmem>> -> memref<100x16xf32, #tpu.memory_space<vmem>>
    %dma_start3A_26 = arith.constant 0 : i32
    %dma_start3A_27 = tpu.memref_slice %arg6[%dma_start3A_18, %dma_start3A_19, %dma_start3A_26] : memref<128x2x100xi32, #tpu.memory_space<vmem>> -> memref<1x1x100xi32, #tpu.memory_space<vmem>>
    %dma_start3A_28 = tpu.memref_squeeze %dma_start3A_27 : memref<1x1x100xi32, #tpu.memory_space<vmem>> -> memref<100xi32, #tpu.memory_space<vmem>>
    %dma_start3A_29 = arith.constant 0 : i32
    %dma_start3A_30 = arith.constant 0 : i32
    %dma_start3A_31 = tpu.memref_slice %arg3[%dma_start3A_29, %dma_start3A_30] : memref<8000000x16xf32, #tpu.memory_space<hbm>> -> memref<8000000x16xf32, #tpu.memory_space<hbm>>
    tpu.enqueue_indirect_dma source(%dma_start3A_31 : memref<8000000x16xf32, #tpu.memory_space<hbm>>) target(%dma_start3A_25 : memref<100x16xf32, #tpu.memory_space<vmem>>) offsets(%dma_start3A_28 : memref<100xi32, #tpu.memory_space<vmem>>) semaphore(%arg10 : memref<!tpu.dma_semaphore, #tpu.memory_space<semaphore_mem>>)
    %dma_start3A_32 = arith.constant 1 : i32
    %dma_start3A_33 = arith.constant 0 : i32
    %dma_start3A_34 = arith.constant 1 : i32
    %dma_start3A_35 = arith.constant 0 : i32
    %dma_start3A_36 = arith.constant 0 : i32
    %dma_start3A_37 = arith.constant 0 : i32
    %dma_start3A_38 = tpu.memref_slice %arg7[%dma_start3A_34, %dma_start3A_35, %dma_start3A_36, %dma_start3A_37] : memref<4x2x100x16xf32, #tpu.memory_space<vmem>> -> memref<1x1x100x16xf32, #tpu.memory_space<vmem>>
    %dma_start3A_39 = tpu.memref_squeeze %dma_start3A_38 : memref<1x1x100x16xf32, #tpu.memory_space<vmem>> -> memref<100x16xf32, #tpu.memory_space<vmem>>
    %dma_start3A_40 = arith.constant 0 : i32
    %dma_start3A_41 = tpu.memref_slice %arg6[%dma_start3A_32, %dma_start3A_33, %dma_start3A_40] : memref<128x2x100xi32, #tpu.memory_space<vmem>> -> memref<1x1x100xi32, #tpu.memory_space<vmem>>
    %dma_start3A_42 = tpu.memref_squeeze %dma_start3A_41 : memref<1x1x100xi32, #tpu.memory_space<vmem>> -> memref<100xi32, #tpu.memory_space<vmem>>
    %dma_start3A_43 = arith.constant 0 : i32
    %dma_start3A_44 = arith.constant 0 : i32
    %dma_start3A_45 = tpu.memref_slice %arg3[%dma_start3A_43, %dma_start3A_44] : memref<8000000x16xf32, #tpu.memory_space<hbm>> -> memref<8000000x16xf32, #tpu.memory_space<hbm>>
    tpu.enqueue_indirect_dma source(%dma_start3A_45 : memref<8000000x16xf32, #tpu.memory_space<hbm>>) target(%dma_start3A_39 : memref<100x16xf32, #tpu.memory_space<vmem>>) offsets(%dma_start3A_42 : memref<100xi32, #tpu.memory_space<vmem>>) semaphore(%arg11 : memref<!tpu.dma_semaphore, #tpu.memory_space<semaphore_mem>>)
    %dma_start3A_46 = arith.constant 1 : i32
    %dma_start3A_47 = arith.constant 1 : i32
    %dma_start3A_48 = arith.constant 1 : i32
    %dma_start3A_49 = arith.constant 1 : i32
    %dma_start3A_50 = arith.constant 0 : i32
    %dma_start3A_51 = arith.constant 0 : i32
    %dma_start3A_52 = tpu.memref_slice %arg7[%dma_start3A_48, %dma_start3A_49, %dma_start3A_50, %dma_start3A_51] : memref<4x2x100x16xf32, #tpu.memory_space<vmem>> -> memref<1x1x100x16xf32, #tpu.memory_space<vmem>>
    %dma_start3A_53 = tpu.memref_squeeze %dma_start3A_52 : memref<1x1x100x16xf32, #tpu.memory_space<vmem>> -> memref<100x16xf32, #tpu.memory_space<vmem>>
    %dma_start3A_54 = arith.constant 0 : i32
    %dma_start3A_55 = tpu.memref_slice %arg6[%dma_start3A_46, %dma_start3A_47, %dma_start3A_54] : memref<128x2x100xi32, #tpu.memory_space<vmem>> -> memref<1x1x100xi32, #tpu.memory_space<vmem>>
    %dma_start3A_56 = tpu.memref_squeeze %dma_start3A_55 : memref<1x1x100xi32, #tpu.memory_space<vmem>> -> memref<100xi32, #tpu.memory_space<vmem>>
    %dma_start3A_57 = arith.constant 0 : i32
    %dma_start3A_58 = arith.constant 0 : i32
    %dma_start3A_59 = tpu.memref_slice %arg3[%dma_start3A_57, %dma_start3A_58] : memref<8000000x16xf32, #tpu.memory_space<hbm>> -> memref<8000000x16xf32, #tpu.memory_space<hbm>>
    tpu.enqueue_indirect_dma source(%dma_start3A_59 : memref<8000000x16xf32, #tpu.memory_space<hbm>>) target(%dma_start3A_53 : memref<100x16xf32, #tpu.memory_space<vmem>>) offsets(%dma_start3A_56 : memref<100xi32, #tpu.memory_space<vmem>>) semaphore(%arg11 : memref<!tpu.dma_semaphore, #tpu.memory_space<semaphore_mem>>)
    %dma_start3A_60 = arith.constant 2 : i32
    %dma_start3A_61 = arith.constant 0 : i32
    %dma_start3A_62 = arith.constant 2 : i32
    %dma_start3A_63 = arith.constant 0 : i32
    %dma_start3A_64 = arith.constant 0 : i32
    %dma_start3A_65 = arith.constant 0 : i32
    %dma_start3A_66 = tpu.memref_slice %arg7[%dma_start3A_62, %dma_start3A_63, %dma_start3A_64, %dma_start3A_65] : memref<4x2x100x16xf32, #tpu.memory_space<vmem>> -> memref<1x1x100x16xf32, #tpu.memory_space<vmem>>
    %dma_start3A_67 = tpu.memref_squeeze %dma_start3A_66 : memref<1x1x100x16xf32, #tpu.memory_space<vmem>> -> memref<100x16xf32, #tpu.memory_space<vmem>>
    %dma_start3A_68 = arith.constant 0 : i32
    %dma_start3A_69 = tpu.memref_slice %arg6[%dma_start3A_60, %dma_start3A_61, %dma_start3A_68] : memref<128x2x100xi32, #tpu.memory_space<vmem>> -> memref<1x1x100xi32, #tpu.memory_space<vmem>>
    %dma_start3A_70 = tpu.memref_squeeze %dma_start3A_69 : memref<1x1x100xi32, #tpu.memory_space<vmem>> -> memref<100xi32, #tpu.memory_space<vmem>>
    %dma_start3A_71 = arith.constant 0 : i32
    %dma_start3A_72 = arith.constant 0 : i32
    %dma_start3A_73 = tpu.memref_slice %arg3[%dma_start3A_71, %dma_start3A_72] : memref<8000000x16xf32, #tpu.memory_space<hbm>> -> memref<8000000x16xf32, #tpu.memory_space<hbm>>
    tpu.enqueue_indirect_dma source(%dma_start3A_73 : memref<8000000x16xf32, #tpu.memory_space<hbm>>) target(%dma_start3A_67 : memref<100x16xf32, #tpu.memory_space<vmem>>) offsets(%dma_start3A_70 : memref<100xi32, #tpu.memory_space<vmem>>) semaphore(%arg12 : memref<!tpu.dma_semaphore, #tpu.memory_space<semaphore_mem>>)
    %dma_start3A_74 = arith.constant 2 : i32
    %dma_start3A_75 = arith.constant 1 : i32
    %dma_start3A_76 = arith.constant 2 : i32
    %dma_start3A_77 = arith.constant 1 : i32
    %dma_start3A_78 = arith.constant 0 : i32
    %dma_start3A_79 = arith.constant 0 : i32
    %dma_start3A_80 = tpu.memref_slice %arg7[%dma_start3A_76, %dma_start3A_77, %dma_start3A_78, %dma_start3A_79] : memref<4x2x100x16xf32, #tpu.memory_space<vmem>> -> memref<1x1x100x16xf32, #tpu.memory_space<vmem>>
    %dma_start3A_81 = tpu.memref_squeeze %dma_start3A_80 : memref<1x1x100x16xf32, #tpu.memory_space<vmem>> -> memref<100x16xf32, #tpu.memory_space<vmem>>
    %dma_start3A_82 = arith.constant 0 : i32
    %dma_start3A_83 = tpu.memref_slice %arg6[%dma_start3A_74, %dma_start3A_75, %dma_start3A_82] : memref<128x2x100xi32, #tpu.memory_space<vmem>> -> memref<1x1x100xi32, #tpu.memory_space<vmem>>
    %dma_start3A_84 = tpu.memref_squeeze %dma_start3A_83 : memref<1x1x100xi32, #tpu.memory_space<vmem>> -> memref<100xi32, #tpu.memory_space<vmem>>
    %dma_start3A_85 = arith.constant 0 : i32
    %dma_start3A_86 = arith.constant 0 : i32
    %dma_start3A_87 = tpu.memref_slice %arg3[%dma_start3A_85, %dma_start3A_86] : memref<8000000x16xf32, #tpu.memory_space<hbm>> -> memref<8000000x16xf32, #tpu.memory_space<hbm>>
    tpu.enqueue_indirect_dma source(%dma_start3A_87 : memref<8000000x16xf32, #tpu.memory_space<hbm>>) target(%dma_start3A_81 : memref<100x16xf32, #tpu.memory_space<vmem>>) offsets(%dma_start3A_84 : memref<100xi32, #tpu.memory_space<vmem>>) semaphore(%arg12 : memref<!tpu.dma_semaphore, #tpu.memory_space<semaphore_mem>>)
    %dma_start3A_88 = arith.constant 3 : i32
    %dma_start3A_89 = arith.constant 0 : i32
    %dma_start3A_90 = arith.constant 3 : i32
    %dma_start3A_91 = arith.constant 0 : i32
    %dma_start3A_92 = arith.constant 0 : i32
    %dma_start3A_93 = arith.constant 0 : i32
    %dma_start3A_94 = tpu.memref_slice %arg7[%dma_start3A_90, %dma_start3A_91, %dma_start3A_92, %dma_start3A_93] : memref<4x2x100x16xf32, #tpu.memory_space<vmem>> -> memref<1x1x100x16xf32, #tpu.memory_space<vmem>>
    %dma_start3A_95 = tpu.memref_squeeze %dma_start3A_94 : memref<1x1x100x16xf32, #tpu.memory_space<vmem>> -> memref<100x16xf32, #tpu.memory_space<vmem>>
    %dma_start3A_96 = arith.constant 0 : i32
    %dma_start3A_97 = tpu.memref_slice %arg6[%dma_start3A_88, %dma_start3A_89, %dma_start3A_96] : memref<128x2x100xi32, #tpu.memory_space<vmem>> -> memref<1x1x100xi32, #tpu.memory_space<vmem>>
    %dma_start3A_98 = tpu.memref_squeeze %dma_start3A_97 : memref<1x1x100xi32, #tpu.memory_space<vmem>> -> memref<100xi32, #tpu.memory_space<vmem>>
    %dma_start3A_99 = arith.constant 0 : i32
    %dma_start3A_100 = arith.constant 0 : i32
    %dma_start3A_101 = tpu.memref_slice %arg3[%dma_start3A_99, %dma_start3A_100] : memref<8000000x16xf32, #tpu.memory_space<hbm>> -> memref<8000000x16xf32, #tpu.memory_space<hbm>>
    tpu.enqueue_indirect_dma source(%dma_start3A_101 : memref<8000000x16xf32, #tpu.memory_space<hbm>>) target(%dma_start3A_95 : memref<100x16xf32, #tpu.memory_space<vmem>>) offsets(%dma_start3A_98 : memref<100xi32, #tpu.memory_space<vmem>>) semaphore(%arg13 : memref<!tpu.dma_semaphore, #tpu.memory_space<semaphore_mem>>)
    %dma_start3A_102 = arith.constant 3 : i32
    %dma_start3A_103 = arith.constant 1 : i32
    %dma_start3A_104 = arith.constant 3 : i32
    %dma_start3A_105 = arith.constant 1 : i32
    %dma_start3A_106 = arith.constant 0 : i32
    %dma_start3A_107 = arith.constant 0 : i32
    %dma_start3A_108 = tpu.memref_slice %arg7[%dma_start3A_104, %dma_start3A_105, %dma_start3A_106, %dma_start3A_107] : memref<4x2x100x16xf32, #tpu.memory_space<vmem>> -> memref<1x1x100x16xf32, #tpu.memory_space<vmem>>
    %dma_start3A_109 = tpu.memref_squeeze %dma_start3A_108 : memref<1x1x100x16xf32, #tpu.memory_space<vmem>> -> memref<100x16xf32, #tpu.memory_space<vmem>>
    %dma_start3A_110 = arith.constant 0 : i32
    %dma_start3A_111 = tpu.memref_slice %arg6[%dma_start3A_102, %dma_start3A_103, %dma_start3A_110] : memref<128x2x100xi32, #tpu.memory_space<vmem>> -> memref<1x1x100xi32, #tpu.memory_space<vmem>>
    %dma_start3A_112 = tpu.memref_squeeze %dma_start3A_111 : memref<1x1x100xi32, #tpu.memory_space<vmem>> -> memref<100xi32, #tpu.memory_space<vmem>>
    %dma_start3A_113 = arith.constant 0 : i32
    %dma_start3A_114 = arith.constant 0 : i32
    %dma_start3A_115 = tpu.memref_slice %arg3[%dma_start3A_113, %dma_start3A_114] : memref<8000000x16xf32, #tpu.memory_space<hbm>> -> memref<8000000x16xf32, #tpu.memory_space<hbm>>
    tpu.enqueue_indirect_dma source(%dma_start3A_115 : memref<8000000x16xf32, #tpu.memory_space<hbm>>) target(%dma_start3A_109 : memref<100x16xf32, #tpu.memory_space<vmem>>) offsets(%dma_start3A_112 : memref<100xi32, #tpu.memory_space<vmem>>) semaphore(%arg13 : memref<!tpu.dma_semaphore, #tpu.memory_space<semaphore_mem>>)
    %scan3A = arith.constant 0 : i32
    %scan3A_116 = arith.constant 0 : i32
    %scan3A_117 = arith.constant 32 : i32
    %scan3A_118 = arith.addi %scan3A_116, %scan3A_117 : i32
    %scan3A_119 = arith.constant 1 : i32
    %scan3A_120 = scf.for %scan3A_122 = %scan3A_116 to %scan3A_118 step %scan3A_119 iter_args(%scan3A_123 = %scan3A) -> (i32)  : i32 {
      %mul3A_124 = arith.constant 4 : i32
      %mul3A_125 = arith.muli %mul3A_124, %scan3A_122 : i32
      %add3A_126 = arith.constant 0 : i32
      %add3A_127 = arith.addi %mul3A_125, %add3A_126 : i32
      %dma_wait3A = arith.constant 0 : i32
      %dma_wait3A_128 = arith.constant 0 : i32
      %dma_wait3A_129 = arith.constant 0 : i32
      %dma_wait3A_130 = arith.constant 0 : i32
      %dma_wait3A_131 = arith.constant 0 : i32
      %dma_wait3A_132 = tpu.memref_slice %arg7[%dma_wait3A_128, %dma_wait3A_129, %dma_wait3A_130, %dma_wait3A_131] : memref<4x2x100x16xf32, #tpu.memory_space<vmem>> -> memref<1x1x100x16xf32, #tpu.memory_space<vmem>>
      %dma_wait3A_133 = tpu.memref_squeeze %dma_wait3A_132 : memref<1x1x100x16xf32, #tpu.memory_space<vmem>> -> memref<100x16xf32, #tpu.memory_space<vmem>>
      %dma_wait3A_134 = arith.constant 0 : i32
      %dma_wait3A_135 = tpu.memref_slice %arg6[%add3A_127, %dma_wait3A, %dma_wait3A_134] : memref<128x2x100xi32, #tpu.memory_space<vmem>> -> memref<1x1x100xi32, #tpu.memory_space<vmem>>
      %dma_wait3A_136 = tpu.memref_squeeze %dma_wait3A_135 : memref<1x1x100xi32, #tpu.memory_space<vmem>> -> memref<100xi32, #tpu.memory_space<vmem>>
      %dma_wait3A_137 = arith.constant 0 : i32
      %dma_wait3A_138 = arith.constant 0 : i32
      %dma_wait3A_139 = tpu.memref_slice %arg3[%dma_wait3A_137, %dma_wait3A_138] : memref<8000000x16xf32, #tpu.memory_space<hbm>> -> memref<8000000x16xf32, #tpu.memory_space<hbm>>
      tpu.wait_indirect_dma semaphore(%arg10 : memref<!tpu.dma_semaphore, #tpu.memory_space<semaphore_mem>>) src(%dma_wait3A_139 : memref<8000000x16xf32, #tpu.memory_space<hbm>>) dst(%dma_wait3A_133 : memref<100x16xf32, #tpu.memory_space<vmem>>)
      %dma_wait3A_140 = arith.constant 1 : i32
      %dma_wait3A_141 = arith.constant 0 : i32
      %dma_wait3A_142 = arith.constant 1 : i32
      %dma_wait3A_143 = arith.constant 0 : i32
      %dma_wait3A_144 = arith.constant 0 : i32
      %dma_wait3A_145 = tpu.memref_slice %arg7[%dma_wait3A_141, %dma_wait3A_142, %dma_wait3A_143, %dma_wait3A_144] : memref<4x2x100x16xf32, #tpu.memory_space<vmem>> -> memref<1x1x100x16xf32, #tpu.memory_space<vmem>>
      %dma_wait3A_146 = tpu.memref_squeeze %dma_wait3A_145 : memref<1x1x100x16xf32, #tpu.memory_space<vmem>> -> memref<100x16xf32, #tpu.memory_space<vmem>>
      %dma_wait3A_147 = arith.constant 0 : i32
      %dma_wait3A_148 = tpu.memref_slice %arg6[%add3A_127, %dma_wait3A_140, %dma_wait3A_147] : memref<128x2x100xi32, #tpu.memory_space<vmem>> -> memref<1x1x100xi32, #tpu.memory_space<vmem>>
      %dma_wait3A_149 = tpu.memref_squeeze %dma_wait3A_148 : memref<1x1x100xi32, #tpu.memory_space<vmem>> -> memref<100xi32, #tpu.memory_space<vmem>>
      %dma_wait3A_150 = arith.constant 0 : i32
      %dma_wait3A_151 = arith.constant 0 : i32
      %dma_wait3A_152 = tpu.memref_slice %arg3[%dma_wait3A_150, %dma_wait3A_151] : memref<8000000x16xf32, #tpu.memory_space<hbm>> -> memref<8000000x16xf32, #tpu.memory_space<hbm>>
      tpu.wait_indirect_dma semaphore(%arg10 : memref<!tpu.dma_semaphore, #tpu.memory_space<semaphore_mem>>) src(%dma_wait3A_152 : memref<8000000x16xf32, #tpu.memory_space<hbm>>) dst(%dma_wait3A_146 : memref<100x16xf32, #tpu.memory_space<vmem>>)
      %add3A_153 = arith.constant 4 : i32
      %add3A_154 = arith.addi %add3A_127, %add3A_153 : i32
      %lt3A = arith.constant 128 : i32
      %lt3A_155 = arith.cmpi slt, %add3A_154, %lt3A : i32
      %convert_element_type3A = arith.extui %lt3A_155 : i1 to i32
      %cond3A = arith.constant 0 : i32
      %cond3A_156 = arith.cmpi ne, %convert_element_type3A, %cond3A : i32
      scf.if %cond3A_156 {
        %add3A_306 = arith.constant 4 : i32
        %add3A_307 = arith.addi %add3A_127, %add3A_306 : i32
        %dma_start3A_308 = arith.constant 0 : i32
        %dma_start3A_309 = arith.constant 0 : i32
        %dma_start3A_310 = arith.constant 0 : i32
        %dma_start3A_311 = arith.constant 0 : i32
        %dma_start3A_312 = arith.constant 0 : i32
        %dma_start3A_313 = tpu.memref_slice %arg7[%dma_start3A_309, %dma_start3A_310, %dma_start3A_311, %dma_start3A_312] : memref<4x2x100x16xf32, #tpu.memory_space<vmem>> -> memref<1x1x100x16xf32, #tpu.memory_space<vmem>>
        %dma_start3A_314 = tpu.memref_squeeze %dma_start3A_313 : memref<1x1x100x16xf32, #tpu.memory_space<vmem>> -> memref<100x16xf32, #tpu.memory_space<vmem>>
        %dma_start3A_315 = arith.constant 0 : i32
        %dma_start3A_316 = tpu.memref_slice %arg6[%add3A_307, %dma_start3A_308, %dma_start3A_315] : memref<128x2x100xi32, #tpu.memory_space<vmem>> -> memref<1x1x100xi32, #tpu.memory_space<vmem>>
        %dma_start3A_317 = tpu.memref_squeeze %dma_start3A_316 : memref<1x1x100xi32, #tpu.memory_space<vmem>> -> memref<100xi32, #tpu.memory_space<vmem>>
        %dma_start3A_318 = arith.constant 0 : i32
        %dma_start3A_319 = arith.constant 0 : i32
        %dma_start3A_320 = tpu.memref_slice %arg3[%dma_start3A_318, %dma_start3A_319] : memref<8000000x16xf32, #tpu.memory_space<hbm>> -> memref<8000000x16xf32, #tpu.memory_space<hbm>>
        tpu.enqueue_indirect_dma source(%dma_start3A_320 : memref<8000000x16xf32, #tpu.memory_space<hbm>>) target(%dma_start3A_314 : memref<100x16xf32, #tpu.memory_space<vmem>>) offsets(%dma_start3A_317 : memref<100xi32, #tpu.memory_space<vmem>>) semaphore(%arg10 : memref<!tpu.dma_semaphore, #tpu.memory_space<semaphore_mem>>)
        %dma_start3A_321 = arith.constant 1 : i32
        %dma_start3A_322 = arith.constant 0 : i32
        %dma_start3A_323 = arith.constant 1 : i32
        %dma_start3A_324 = arith.constant 0 : i32
        %dma_start3A_325 = arith.constant 0 : i32
        %dma_start3A_326 = tpu.memref_slice %arg7[%dma_start3A_322, %dma_start3A_323, %dma_start3A_324, %dma_start3A_325] : memref<4x2x100x16xf32, #tpu.memory_space<vmem>> -> memref<1x1x100x16xf32, #tpu.memory_space<vmem>>
        %dma_start3A_327 = tpu.memref_squeeze %dma_start3A_326 : memref<1x1x100x16xf32, #tpu.memory_space<vmem>> -> memref<100x16xf32, #tpu.memory_space<vmem>>
        %dma_start3A_328 = arith.constant 0 : i32
        %dma_start3A_329 = tpu.memref_slice %arg6[%add3A_307, %dma_start3A_321, %dma_start3A_328] : memref<128x2x100xi32, #tpu.memory_space<vmem>> -> memref<1x1x100xi32, #tpu.memory_space<vmem>>
        %dma_start3A_330 = tpu.memref_squeeze %dma_start3A_329 : memref<1x1x100xi32, #tpu.memory_space<vmem>> -> memref<100xi32, #tpu.memory_space<vmem>>
        %dma_start3A_331 = arith.constant 0 : i32
        %dma_start3A_332 = arith.constant 0 : i32
        %dma_start3A_333 = tpu.memref_slice %arg3[%dma_start3A_331, %dma_start3A_332] : memref<8000000x16xf32, #tpu.memory_space<hbm>> -> memref<8000000x16xf32, #tpu.memory_space<hbm>>
        tpu.enqueue_indirect_dma source(%dma_start3A_333 : memref<8000000x16xf32, #tpu.memory_space<hbm>>) target(%dma_start3A_327 : memref<100x16xf32, #tpu.memory_space<vmem>>) offsets(%dma_start3A_330 : memref<100xi32, #tpu.memory_space<vmem>>) semaphore(%arg10 : memref<!tpu.dma_semaphore, #tpu.memory_space<semaphore_mem>>)
      } else {
      }
      %scan3A_157 = arith.constant 0 : i32
      %scan3A_158 = arith.constant 25 : i32
      %scan3A_159 = arith.addi %scan3A_157, %scan3A_158 : i32
      %scan3A_160 = arith.constant 1 : i32
      %scan3A_161 = scf.for %scan3A_306 = %scan3A_157 to %scan3A_159 step %scan3A_160 iter_args(%scan3A_307 = %get3A_4) -> (vector<16xf32>)  : i32 {
        %mul3A_308 = arith.constant 4 : i32
        %mul3A_309 = arith.muli %mul3A_308, %scan3A_306 : i32
        %add3A_310 = arith.constant 0 : i32
        %add3A_311 = arith.addi %mul3A_309, %add3A_310 : i32
        %get3A_312 = arith.constant 0 : i32
        %get3A_313 = arith.constant 0 : i32
        %get3A_314 = arith.index_cast %get3A_312 : i32 to index
        %get3A_315 = arith.index_cast %get3A_313 : i32 to index
        %get3A_316 = arith.index_cast %add3A_311 : i32 to index
        %get3A_317 = arith.constant 0 : index
        %get3A_318 = tpu.vector_load %arg7[%get3A_314, %get3A_315, %get3A_316, %get3A_317] {strides = array<i32>} : memref<4x2x100x16xf32, #tpu.memory_space<vmem>>, vector<1x1x1x16xf32>,
        %get3A_319 = vector.shape_cast %get3A_318 : vector<1x1x1x16xf32> to vector<16xf32>
        %add3A_320 = arith.addf %scan3A_307, %get3A_319 : vector<16xf32>
        %mul3A_321 = arith.constant 4 : i32
        %mul3A_322 = arith.muli %mul3A_321, %scan3A_306 : i32
        %add3A_323 = arith.constant 0 : i32
        %add3A_324 = arith.addi %mul3A_322, %add3A_323 : i32
        %get3A_325 = arith.constant 0 : i32
        %get3A_326 = arith.constant 1 : i32
        %get3A_327 = arith.index_cast %get3A_325 : i32 to index
        %get3A_328 = arith.index_cast %get3A_326 : i32 to index
        %get3A_329 = arith.index_cast %add3A_324 : i32 to index
        %get3A_330 = arith.constant 0 : index
        %get3A_331 = tpu.vector_load %arg7[%get3A_327, %get3A_328, %get3A_329, %get3A_330] {strides = array<i32>} : memref<4x2x100x16xf32, #tpu.memory_space<vmem>>, vector<1x1x1x16xf32>,
        %get3A_332 = vector.shape_cast %get3A_331 : vector<1x1x1x16xf32> to vector<16xf32>
        %add3A_333 = arith.addf %add3A_320, %get3A_332 : vector<16xf32>
        %mul3A_334 = arith.constant 4 : i32
        %mul3A_335 = arith.muli %mul3A_334, %scan3A_306 : i32
        %add3A_336 = arith.constant 1 : i32
        %add3A_337 = arith.addi %mul3A_335, %add3A_336 : i32
        %get3A_338 = arith.constant 0 : i32
        %get3A_339 = arith.constant 0 : i32
        %get3A_340 = arith.index_cast %get3A_338 : i32 to index
        %get3A_341 = arith.index_cast %get3A_339 : i32 to index
        %get3A_342 = arith.index_cast %add3A_337 : i32 to index
        %get3A_343 = arith.constant 0 : index
        %get3A_344 = tpu.vector_load %arg7[%get3A_340, %get3A_341, %get3A_342, %get3A_343] {strides = array<i32>} : memref<4x2x100x16xf32, #tpu.memory_space<vmem>>, vector<1x1x1x16xf32>,
        %get3A_345 = vector.shape_cast %get3A_344 : vector<1x1x1x16xf32> to vector<16xf32>
        %add3A_346 = arith.addf %add3A_333, %get3A_345 : vector<16xf32>
        %mul3A_347 = arith.constant 4 : i32
        %mul3A_348 = arith.muli %mul3A_347, %scan3A_306 : i32
        %add3A_349 = arith.constant 1 : i32
        %add3A_350 = arith.addi %mul3A_348, %add3A_349 : i32
        %get3A_351 = arith.constant 0 : i32
        %get3A_352 = arith.constant 1 : i32
        %get3A_353 = arith.index_cast %get3A_351 : i32 to index
        %get3A_354 = arith.index_cast %get3A_352 : i32 to index
        %get3A_355 = arith.index_cast %add3A_350 : i32 to index
        %get3A_356 = arith.constant 0 : index
        %get3A_357 = tpu.vector_load %arg7[%get3A_353, %get3A_354, %get3A_355, %get3A_356] {strides = array<i32>} : memref<4x2x100x16xf32, #tpu.memory_space<vmem>>, vector<1x1x1x16xf32>,
        %get3A_358 = vector.shape_cast %get3A_357 : vector<1x1x1x16xf32> to vector<16xf32>
        %add3A_359 = arith.addf %add3A_346, %get3A_358 : vector<16xf32>
        %mul3A_360 = arith.constant 4 : i32
        %mul3A_361 = arith.muli %mul3A_360, %scan3A_306 : i32
        %add3A_362 = arith.constant 2 : i32
        %add3A_363 = arith.addi %mul3A_361, %add3A_362 : i32
        %get3A_364 = arith.constant 0 : i32
        %get3A_365 = arith.constant 0 : i32
        %get3A_366 = arith.index_cast %get3A_364 : i32 to index
        %get3A_367 = arith.index_cast %get3A_365 : i32 to index
        %get3A_368 = arith.index_cast %add3A_363 : i32 to index
        %get3A_369 = arith.constant 0 : index
        %get3A_370 = tpu.vector_load %arg7[%get3A_366, %get3A_367, %get3A_368, %get3A_369] {strides = array<i32>} : memref<4x2x100x16xf32, #tpu.memory_space<vmem>>, vector<1x1x1x16xf32>,
        %get3A_371 = vector.shape_cast %get3A_370 : vector<1x1x1x16xf32> to vector<16xf32>
        %add3A_372 = arith.addf %add3A_359, %get3A_371 : vector<16xf32>
        %mul3A_373 = arith.constant 4 : i32
        %mul3A_374 = arith.muli %mul3A_373, %scan3A_306 : i32
        %add3A_375 = arith.constant 2 : i32
        %add3A_376 = arith.addi %mul3A_374, %add3A_375 : i32
        %get3A_377 = arith.constant 0 : i32
        %get3A_378 = arith.constant 1 : i32
        %get3A_379 = arith.index_cast %get3A_377 : i32 to index
        %get3A_380 = arith.index_cast %get3A_378 : i32 to index
        %get3A_381 = arith.index_cast %add3A_376 : i32 to index
        %get3A_382 = arith.constant 0 : index
        %get3A_383 = tpu.vector_load %arg7[%get3A_379, %get3A_380, %get3A_381, %get3A_382] {strides = array<i32>} : memref<4x2x100x16xf32, #tpu.memory_space<vmem>>, vector<1x1x1x16xf32>,
        %get3A_384 = vector.shape_cast %get3A_383 : vector<1x1x1x16xf32> to vector<16xf32>
        %add3A_385 = arith.addf %add3A_372, %get3A_384 : vector<16xf32>
        %mul3A_386 = arith.constant 4 : i32
        %mul3A_387 = arith.muli %mul3A_386, %scan3A_306 : i32
        %add3A_388 = arith.constant 3 : i32
        %add3A_389 = arith.addi %mul3A_387, %add3A_388 : i32
        %get3A_390 = arith.constant 0 : i32
        %get3A_391 = arith.constant 0 : i32
        %get3A_392 = arith.index_cast %get3A_390 : i32 to index
        %get3A_393 = arith.index_cast %get3A_391 : i32 to index
        %get3A_394 = arith.index_cast %add3A_389 : i32 to index
        %get3A_395 = arith.constant 0 : index
        %get3A_396 = tpu.vector_load %arg7[%get3A_392, %get3A_393, %get3A_394, %get3A_395] {strides = array<i32>} : memref<4x2x100x16xf32, #tpu.memory_space<vmem>>, vector<1x1x1x16xf32>,
        %get3A_397 = vector.shape_cast %get3A_396 : vector<1x1x1x16xf32> to vector<16xf32>
        %add3A_398 = arith.addf %add3A_385, %get3A_397 : vector<16xf32>
        %mul3A_399 = arith.constant 4 : i32
        %mul3A_400 = arith.muli %mul3A_399, %scan3A_306 : i32
        %add3A_401 = arith.constant 3 : i32
        %add3A_402 = arith.addi %mul3A_400, %add3A_401 : i32
        %get3A_403 = arith.constant 0 : i32
        %get3A_404 = arith.constant 1 : i32
        %get3A_405 = arith.index_cast %get3A_403 : i32 to index
        %get3A_406 = arith.index_cast %get3A_404 : i32 to index
        %get3A_407 = arith.index_cast %add3A_402 : i32 to index
        %get3A_408 = arith.constant 0 : index
        %get3A_409 = tpu.vector_load %arg7[%get3A_405, %get3A_406, %get3A_407, %get3A_408] {strides = array<i32>} : memref<4x2x100x16xf32, #tpu.memory_space<vmem>>, vector<1x1x1x16xf32>,
        %get3A_410 = vector.shape_cast %get3A_409 : vector<1x1x1x16xf32> to vector<16xf32>
        %add3A_411 = arith.addf %add3A_398, %get3A_410 : vector<16xf32>
        scf.yield %add3A_411 : vector<16xf32>
      }
      %scan3A_162 = arith.constant 25 : i32
      %swap3A = arith.index_cast %add3A_127 : i32 to index
      %swap3A_163 = arith.constant 0 : index
      %swap3A_164 = tpu.vector_load %arg8[%swap3A, %swap3A_163] {strides = array<i32>} : memref<128x16xf32, #tpu.memory_space<vmem>>, vector<1x16xf32>,
      %swap3A_165 = vector.shape_cast %swap3A_164 : vector<1x16xf32> to vector<16xf32>
      %swap3A_166 = vector.shape_cast %scan3A_161 : vector<16xf32> to vector<1x16xf32>
      tpu.vector_store %arg8[%swap3A, %swap3A_163], %swap3A_166 {strides = array<i32>} : memref<128x16xf32, #tpu.memory_space<vmem>>, vector<1x16xf32>,
      %add3A_167 = arith.constant 1 : i32
      %add3A_168 = arith.addi %mul3A_125, %add3A_167 : i32
      %dma_wait3A_169 = arith.constant 0 : i32
      %dma_wait3A_170 = arith.constant 1 : i32
      %dma_wait3A_171 = arith.constant 0 : i32
      %dma_wait3A_172 = arith.constant 0 : i32
      %dma_wait3A_173 = arith.constant 0 : i32
      %dma_wait3A_174 = tpu.memref_slice %arg7[%dma_wait3A_170, %dma_wait3A_171, %dma_wait3A_172, %dma_wait3A_173] : memref<4x2x100x16xf32, #tpu.memory_space<vmem>> -> memref<1x1x100x16xf32, #tpu.memory_space<vmem>>
      %dma_wait3A_175 = tpu.memref_squeeze %dma_wait3A_174 : memref<1x1x100x16xf32, #tpu.memory_space<vmem>> -> memref<100x16xf32, #tpu.memory_space<vmem>>
      %dma_wait3A_176 = arith.constant 0 : i32
      %dma_wait3A_177 = tpu.memref_slice %arg6[%add3A_168, %dma_wait3A_169, %dma_wait3A_176] : memref<128x2x100xi32, #tpu.memory_space<vmem>> -> memref<1x1x100xi32, #tpu.memory_space<vmem>>
      %dma_wait3A_178 = tpu.memref_squeeze %dma_wait3A_177 : memref<1x1x100xi32, #tpu.memory_space<vmem>> -> memref<100xi32, #tpu.memory_space<vmem>>
      %dma_wait3A_179 = arith.constant 0 : i32
      %dma_wait3A_180 = arith.constant 0 : i32
      %dma_wait3A_181 = tpu.memref_slice %arg3[%dma_wait3A_179, %dma_wait3A_180] : memref<8000000x16xf32, #tpu.memory_space<hbm>> -> memref<8000000x16xf32, #tpu.memory_space<hbm>>
      tpu.wait_indirect_dma semaphore(%arg11 : memref<!tpu.dma_semaphore, #tpu.memory_space<semaphore_mem>>) src(%dma_wait3A_181 : memref<8000000x16xf32, #tpu.memory_space<hbm>>) dst(%dma_wait3A_175 : memref<100x16xf32, #tpu.memory_space<vmem>>)
      %dma_wait3A_182 = arith.constant 1 : i32
      %dma_wait3A_183 = arith.constant 1 : i32
      %dma_wait3A_184 = arith.constant 1 : i32
      %dma_wait3A_185 = arith.constant 0 : i32
      %dma_wait3A_186 = arith.constant 0 : i32
      %dma_wait3A_187 = tpu.memref_slice %arg7[%dma_wait3A_183, %dma_wait3A_184, %dma_wait3A_185, %dma_wait3A_186] : memref<4x2x100x16xf32, #tpu.memory_space<vmem>> -> memref<1x1x100x16xf32, #tpu.memory_space<vmem>>
      %dma_wait3A_188 = tpu.memref_squeeze %dma_wait3A_187 : memref<1x1x100x16xf32, #tpu.memory_space<vmem>> -> memref<100x16xf32, #tpu.memory_space<vmem>>
      %dma_wait3A_189 = arith.constant 0 : i32
      %dma_wait3A_190 = tpu.memref_slice %arg6[%add3A_168, %dma_wait3A_182, %dma_wait3A_189] : memref<128x2x100xi32, #tpu.memory_space<vmem>> -> memref<1x1x100xi32, #tpu.memory_space<vmem>>
      %dma_wait3A_191 = tpu.memref_squeeze %dma_wait3A_190 : memref<1x1x100xi32, #tpu.memory_space<vmem>> -> memref<100xi32, #tpu.memory_space<vmem>>
      %dma_wait3A_192 = arith.constant 0 : i32
      %dma_wait3A_193 = arith.constant 0 : i32
      %dma_wait3A_194 = tpu.memref_slice %arg3[%dma_wait3A_192, %dma_wait3A_193] : memref<8000000x16xf32, #tpu.memory_space<hbm>> -> memref<8000000x16xf32, #tpu.memory_space<hbm>>
      tpu.wait_indirect_dma semaphore(%arg11 : memref<!tpu.dma_semaphore, #tpu.memory_space<semaphore_mem>>) src(%dma_wait3A_194 : memref<8000000x16xf32, #tpu.memory_space<hbm>>) dst(%dma_wait3A_188 : memref<100x16xf32, #tpu.memory_space<vmem>>)
      %add3A_195 = arith.constant 4 : i32
      %add3A_196 = arith.addi %add3A_168, %add3A_195 : i32
      %lt3A_197 = arith.constant 128 : i32
      %lt3A_198 = arith.cmpi slt, %add3A_196, %lt3A_197 : i32
      %convert_element_type3A_199 = arith.extui %lt3A_198 : i1 to i32
      %cond3A_200 = arith.constant 0 : i32
      %cond3A_201 = arith.cmpi ne, %convert_element_type3A_199, %cond3A_200 : i32
      scf.if %cond3A_201 {
        %add3A_306 = arith.constant 4 : i32
        %add3A_307 = arith.addi %add3A_168, %add3A_306 : i32
        %dma_start3A_308 = arith.constant 0 : i32
        %dma_start3A_309 = arith.constant 1 : i32
        %dma_start3A_310 = arith.constant 0 : i32
        %dma_start3A_311 = arith.constant 0 : i32
        %dma_start3A_312 = arith.constant 0 : i32
        %dma_start3A_313 = tpu.memref_slice %arg7[%dma_start3A_309, %dma_start3A_310, %dma_start3A_311, %dma_start3A_312] : memref<4x2x100x16xf32, #tpu.memory_space<vmem>> -> memref<1x1x100x16xf32, #tpu.memory_space<vmem>>
        %dma_start3A_314 = tpu.memref_squeeze %dma_start3A_313 : memref<1x1x100x16xf32, #tpu.memory_space<vmem>> -> memref<100x16xf32, #tpu.memory_space<vmem>>
        %dma_start3A_315 = arith.constant 0 : i32
        %dma_start3A_316 = tpu.memref_slice %arg6[%add3A_307, %dma_start3A_308, %dma_start3A_315] : memref<128x2x100xi32, #tpu.memory_space<vmem>> -> memref<1x1x100xi32, #tpu.memory_space<vmem>>
        %dma_start3A_317 = tpu.memref_squeeze %dma_start3A_316 : memref<1x1x100xi32, #tpu.memory_space<vmem>> -> memref<100xi32, #tpu.memory_space<vmem>>
        %dma_start3A_318 = arith.constant 0 : i32
        %dma_start3A_319 = arith.constant 0 : i32
        %dma_start3A_320 = tpu.memref_slice %arg3[%dma_start3A_318, %dma_start3A_319] : memref<8000000x16xf32, #tpu.memory_space<hbm>> -> memref<8000000x16xf32, #tpu.memory_space<hbm>>
        tpu.enqueue_indirect_dma source(%dma_start3A_320 : memref<8000000x16xf32, #tpu.memory_space<hbm>>) target(%dma_start3A_314 : memref<100x16xf32, #tpu.memory_space<vmem>>) offsets(%dma_start3A_317 : memref<100xi32, #tpu.memory_space<vmem>>) semaphore(%arg11 : memref<!tpu.dma_semaphore, #tpu.memory_space<semaphore_mem>>)
        %dma_start3A_321 = arith.constant 1 : i32
        %dma_start3A_322 = arith.constant 1 : i32
        %dma_start3A_323 = arith.constant 1 : i32
        %dma_start3A_324 = arith.constant 0 : i32
        %dma_start3A_325 = arith.constant 0 : i32
        %dma_start3A_326 = tpu.memref_slice %arg7[%dma_start3A_322, %dma_start3A_323, %dma_start3A_324, %dma_start3A_325] : memref<4x2x100x16xf32, #tpu.memory_space<vmem>> -> memref<1x1x100x16xf32, #tpu.memory_space<vmem>>
        %dma_start3A_327 = tpu.memref_squeeze %dma_start3A_326 : memref<1x1x100x16xf32, #tpu.memory_space<vmem>> -> memref<100x16xf32, #tpu.memory_space<vmem>>
        %dma_start3A_328 = arith.constant 0 : i32
        %dma_start3A_329 = tpu.memref_slice %arg6[%add3A_307, %dma_start3A_321, %dma_start3A_328] : memref<128x2x100xi32, #tpu.memory_space<vmem>> -> memref<1x1x100xi32, #tpu.memory_space<vmem>>
        %dma_start3A_330 = tpu.memref_squeeze %dma_start3A_329 : memref<1x1x100xi32, #tpu.memory_space<vmem>> -> memref<100xi32, #tpu.memory_space<vmem>>
        %dma_start3A_331 = arith.constant 0 : i32
        %dma_start3A_332 = arith.constant 0 : i32
        %dma_start3A_333 = tpu.memref_slice %arg3[%dma_start3A_331, %dma_start3A_332] : memref<8000000x16xf32, #tpu.memory_space<hbm>> -> memref<8000000x16xf32, #tpu.memory_space<hbm>>
        tpu.enqueue_indirect_dma source(%dma_start3A_333 : memref<8000000x16xf32, #tpu.memory_space<hbm>>) target(%dma_start3A_327 : memref<100x16xf32, #tpu.memory_space<vmem>>) offsets(%dma_start3A_330 : memref<100xi32, #tpu.memory_space<vmem>>) semaphore(%arg11 : memref<!tpu.dma_semaphore, #tpu.memory_space<semaphore_mem>>)
      } else {
      }
      %scan3A_202 = arith.constant 0 : i32
      %scan3A_203 = arith.constant 25 : i32
      %scan3A_204 = arith.addi %scan3A_202, %scan3A_203 : i32
      %scan3A_205 = arith.constant 1 : i32
      %scan3A_206 = scf.for %scan3A_306 = %scan3A_202 to %scan3A_204 step %scan3A_205 iter_args(%scan3A_307 = %get3A_4) -> (vector<16xf32>)  : i32 {
        %mul3A_308 = arith.constant 4 : i32
        %mul3A_309 = arith.muli %mul3A_308, %scan3A_306 : i32
        %add3A_310 = arith.constant 0 : i32
        %add3A_311 = arith.addi %mul3A_309, %add3A_310 : i32
        %get3A_312 = arith.constant 1 : i32
        %get3A_313 = arith.constant 0 : i32
        %get3A_314 = arith.index_cast %get3A_312 : i32 to index
        %get3A_315 = arith.index_cast %get3A_313 : i32 to index
        %get3A_316 = arith.index_cast %add3A_311 : i32 to index
        %get3A_317 = arith.constant 0 : index
        %get3A_318 = tpu.vector_load %arg7[%get3A_314, %get3A_315, %get3A_316, %get3A_317] {strides = array<i32>} : memref<4x2x100x16xf32, #tpu.memory_space<vmem>>, vector<1x1x1x16xf32>,
        %get3A_319 = vector.shape_cast %get3A_318 : vector<1x1x1x16xf32> to vector<16xf32>
        %add3A_320 = arith.addf %scan3A_307, %get3A_319 : vector<16xf32>
        %mul3A_321 = arith.constant 4 : i32
        %mul3A_322 = arith.muli %mul3A_321, %scan3A_306 : i32
        %add3A_323 = arith.constant 0 : i32
        %add3A_324 = arith.addi %mul3A_322, %add3A_323 : i32
        %get3A_325 = arith.constant 1 : i32
        %get3A_326 = arith.constant 1 : i32
        %get3A_327 = arith.index_cast %get3A_325 : i32 to index
        %get3A_328 = arith.index_cast %get3A_326 : i32 to index
        %get3A_329 = arith.index_cast %add3A_324 : i32 to index
        %get3A_330 = arith.constant 0 : index
        %get3A_331 = tpu.vector_load %arg7[%get3A_327, %get3A_328, %get3A_329, %get3A_330] {strides = array<i32>} : memref<4x2x100x16xf32, #tpu.memory_space<vmem>>, vector<1x1x1x16xf32>,
        %get3A_332 = vector.shape_cast %get3A_331 : vector<1x1x1x16xf32> to vector<16xf32>
        %add3A_333 = arith.addf %add3A_320, %get3A_332 : vector<16xf32>
        %mul3A_334 = arith.constant 4 : i32
        %mul3A_335 = arith.muli %mul3A_334, %scan3A_306 : i32
        %add3A_336 = arith.constant 1 : i32
        %add3A_337 = arith.addi %mul3A_335, %add3A_336 : i32
        %get3A_338 = arith.constant 1 : i32
        %get3A_339 = arith.constant 0 : i32
        %get3A_340 = arith.index_cast %get3A_338 : i32 to index
        %get3A_341 = arith.index_cast %get3A_339 : i32 to index
        %get3A_342 = arith.index_cast %add3A_337 : i32 to index
        %get3A_343 = arith.constant 0 : index
        %get3A_344 = tpu.vector_load %arg7[%get3A_340, %get3A_341, %get3A_342, %get3A_343] {strides = array<i32>} : memref<4x2x100x16xf32, #tpu.memory_space<vmem>>, vector<1x1x1x16xf32>,
        %get3A_345 = vector.shape_cast %get3A_344 : vector<1x1x1x16xf32> to vector<16xf32>
        %add3A_346 = arith.addf %add3A_333, %get3A_345 : vector<16xf32>
        %mul3A_347 = arith.constant 4 : i32
        %mul3A_348 = arith.muli %mul3A_347, %scan3A_306 : i32
        %add3A_349 = arith.constant 1 : i32
        %add3A_350 = arith.addi %mul3A_348, %add3A_349 : i32
        %get3A_351 = arith.constant 1 : i32
        %get3A_352 = arith.constant 1 : i32
        %get3A_353 = arith.index_cast %get3A_351 : i32 to index
        %get3A_354 = arith.index_cast %get3A_352 : i32 to index
        %get3A_355 = arith.index_cast %add3A_350 : i32 to index
        %get3A_356 = arith.constant 0 : index
        %get3A_357 = tpu.vector_load %arg7[%get3A_353, %get3A_354, %get3A_355, %get3A_356] {strides = array<i32>} : memref<4x2x100x16xf32, #tpu.memory_space<vmem>>, vector<1x1x1x16xf32>,
        %get3A_358 = vector.shape_cast %get3A_357 : vector<1x1x1x16xf32> to vector<16xf32>
        %add3A_359 = arith.addf %add3A_346, %get3A_358 : vector<16xf32>
        %mul3A_360 = arith.constant 4 : i32
        %mul3A_361 = arith.muli %mul3A_360, %scan3A_306 : i32
        %add3A_362 = arith.constant 2 : i32
        %add3A_363 = arith.addi %mul3A_361, %add3A_362 : i32
        %get3A_364 = arith.constant 1 : i32
        %get3A_365 = arith.constant 0 : i32
        %get3A_366 = arith.index_cast %get3A_364 : i32 to index
        %get3A_367 = arith.index_cast %get3A_365 : i32 to index
        %get3A_368 = arith.index_cast %add3A_363 : i32 to index
        %get3A_369 = arith.constant 0 : index
        %get3A_370 = tpu.vector_load %arg7[%get3A_366, %get3A_367, %get3A_368, %get3A_369] {strides = array<i32>} : memref<4x2x100x16xf32, #tpu.memory_space<vmem>>, vector<1x1x1x16xf32>,
        %get3A_371 = vector.shape_cast %get3A_370 : vector<1x1x1x16xf32> to vector<16xf32>
        %add3A_372 = arith.addf %add3A_359, %get3A_371 : vector<16xf32>
        %mul3A_373 = arith.constant 4 : i32
        %mul3A_374 = arith.muli %mul3A_373, %scan3A_306 : i32
        %add3A_375 = arith.constant 2 : i32
        %add3A_376 = arith.addi %mul3A_374, %add3A_375 : i32
        %get3A_377 = arith.constant 1 : i32
        %get3A_378 = arith.constant 1 : i32
        %get3A_379 = arith.index_cast %get3A_377 : i32 to index
        %get3A_380 = arith.index_cast %get3A_378 : i32 to index
        %get3A_381 = arith.index_cast %add3A_376 : i32 to index
        %get3A_382 = arith.constant 0 : index
        %get3A_383 = tpu.vector_load %arg7[%get3A_379, %get3A_380, %get3A_381, %get3A_382] {strides = array<i32>} : memref<4x2x100x16xf32, #tpu.memory_space<vmem>>, vector<1x1x1x16xf32>,
        %get3A_384 = vector.shape_cast %get3A_383 : vector<1x1x1x16xf32> to vector<16xf32>
        %add3A_385 = arith.addf %add3A_372, %get3A_384 : vector<16xf32>
        %mul3A_386 = arith.constant 4 : i32
        %mul3A_387 = arith.muli %mul3A_386, %scan3A_306 : i32
        %add3A_388 = arith.constant 3 : i32
        %add3A_389 = arith.addi %mul3A_387, %add3A_388 : i32
        %get3A_390 = arith.constant 1 : i32
        %get3A_391 = arith.constant 0 : i32
        %get3A_392 = arith.index_cast %get3A_390 : i32 to index
        %get3A_393 = arith.index_cast %get3A_391 : i32 to index
        %get3A_394 = arith.index_cast %add3A_389 : i32 to index
        %get3A_395 = arith.constant 0 : index
        %get3A_396 = tpu.vector_load %arg7[%get3A_392, %get3A_393, %get3A_394, %get3A_395] {strides = array<i32>} : memref<4x2x100x16xf32, #tpu.memory_space<vmem>>, vector<1x1x1x16xf32>,
        %get3A_397 = vector.shape_cast %get3A_396 : vector<1x1x1x16xf32> to vector<16xf32>
        %add3A_398 = arith.addf %add3A_385, %get3A_397 : vector<16xf32>
        %mul3A_399 = arith.constant 4 : i32
        %mul3A_400 = arith.muli %mul3A_399, %scan3A_306 : i32
        %add3A_401 = arith.constant 3 : i32
        %add3A_402 = arith.addi %mul3A_400, %add3A_401 : i32
        %get3A_403 = arith.constant 1 : i32
        %get3A_404 = arith.constant 1 : i32
        %get3A_405 = arith.index_cast %get3A_403 : i32 to index
        %get3A_406 = arith.index_cast %get3A_404 : i32 to index
        %get3A_407 = arith.index_cast %add3A_402 : i32 to index
        %get3A_408 = arith.constant 0 : index
        %get3A_409 = tpu.vector_load %arg7[%get3A_405, %get3A_406, %get3A_407, %get3A_408] {strides = array<i32>} : memref<4x2x100x16xf32, #tpu.memory_space<vmem>>, vector<1x1x1x16xf32>,
        %get3A_410 = vector.shape_cast %get3A_409 : vector<1x1x1x16xf32> to vector<16xf32>
        %add3A_411 = arith.addf %add3A_398, %get3A_410 : vector<16xf32>
        scf.yield %add3A_411 : vector<16xf32>
      }
      %scan3A_207 = arith.constant 25 : i32
      %swap3A_208 = arith.index_cast %add3A_168 : i32 to index
      %swap3A_209 = arith.constant 0 : index
      %swap3A_210 = tpu.vector_load %arg8[%swap3A_208, %swap3A_209] {strides = array<i32>} : memref<128x16xf32, #tpu.memory_space<vmem>>, vector<1x16xf32>,
      %swap3A_211 = vector.shape_cast %swap3A_210 : vector<1x16xf32> to vector<16xf32>
      %swap3A_212 = vector.shape_cast %scan3A_206 : vector<16xf32> to vector<1x16xf32>
      tpu.vector_store %arg8[%swap3A_208, %swap3A_209], %swap3A_212 {strides = array<i32>} : memref<128x16xf32, #tpu.memory_space<vmem>>, vector<1x16xf32>,
      %add3A_213 = arith.constant 2 : i32
      %add3A_214 = arith.addi %mul3A_125, %add3A_213 : i32
      %dma_wait3A_215 = arith.constant 0 : i32
      %dma_wait3A_216 = arith.constant 2 : i32
      %dma_wait3A_217 = arith.constant 0 : i32
      %dma_wait3A_218 = arith.constant 0 : i32
      %dma_wait3A_219 = arith.constant 0 : i32
      %dma_wait3A_220 = tpu.memref_slice %arg7[%dma_wait3A_216, %dma_wait3A_217, %dma_wait3A_218, %dma_wait3A_219] : memref<4x2x100x16xf32, #tpu.memory_space<vmem>> -> memref<1x1x100x16xf32, #tpu.memory_space<vmem>>
      %dma_wait3A_221 = tpu.memref_squeeze %dma_wait3A_220 : memref<1x1x100x16xf32, #tpu.memory_space<vmem>> -> memref<100x16xf32, #tpu.memory_space<vmem>>
      %dma_wait3A_222 = arith.constant 0 : i32
      %dma_wait3A_223 = tpu.memref_slice %arg6[%add3A_214, %dma_wait3A_215, %dma_wait3A_222] : memref<128x2x100xi32, #tpu.memory_space<vmem>> -> memref<1x1x100xi32, #tpu.memory_space<vmem>>
      %dma_wait3A_224 = tpu.memref_squeeze %dma_wait3A_223 : memref<1x1x100xi32, #tpu.memory_space<vmem>> -> memref<100xi32, #tpu.memory_space<vmem>>
      %dma_wait3A_225 = arith.constant 0 : i32
      %dma_wait3A_226 = arith.constant 0 : i32
      %dma_wait3A_227 = tpu.memref_slice %arg3[%dma_wait3A_225, %dma_wait3A_226] : memref<8000000x16xf32, #tpu.memory_space<hbm>> -> memref<8000000x16xf32, #tpu.memory_space<hbm>>
      tpu.wait_indirect_dma semaphore(%arg12 : memref<!tpu.dma_semaphore, #tpu.memory_space<semaphore_mem>>) src(%dma_wait3A_227 : memref<8000000x16xf32, #tpu.memory_space<hbm>>) dst(%dma_wait3A_221 : memref<100x16xf32, #tpu.memory_space<vmem>>)
      %dma_wait3A_228 = arith.constant 1 : i32
      %dma_wait3A_229 = arith.constant 2 : i32
      %dma_wait3A_230 = arith.constant 1 : i32
      %dma_wait3A_231 = arith.constant 0 : i32
      %dma_wait3A_232 = arith.constant 0 : i32
      %dma_wait3A_233 = tpu.memref_slice %arg7[%dma_wait3A_229, %dma_wait3A_230, %dma_wait3A_231, %dma_wait3A_232] : memref<4x2x100x16xf32, #tpu.memory_space<vmem>> -> memref<1x1x100x16xf32, #tpu.memory_space<vmem>>
      %dma_wait3A_234 = tpu.memref_squeeze %dma_wait3A_233 : memref<1x1x100x16xf32, #tpu.memory_space<vmem>> -> memref<100x16xf32, #tpu.memory_space<vmem>>
      %dma_wait3A_235 = arith.constant 0 : i32
      %dma_wait3A_236 = tpu.memref_slice %arg6[%add3A_214, %dma_wait3A_228, %dma_wait3A_235] : memref<128x2x100xi32, #tpu.memory_space<vmem>> -> memref<1x1x100xi32, #tpu.memory_space<vmem>>
      %dma_wait3A_237 = tpu.memref_squeeze %dma_wait3A_236 : memref<1x1x100xi32, #tpu.memory_space<vmem>> -> memref<100xi32, #tpu.memory_space<vmem>>
      %dma_wait3A_238 = arith.constant 0 : i32
      %dma_wait3A_239 = arith.constant 0 : i32
      %dma_wait3A_240 = tpu.memref_slice %arg3[%dma_wait3A_238, %dma_wait3A_239] : memref<8000000x16xf32, #tpu.memory_space<hbm>> -> memref<8000000x16xf32, #tpu.memory_space<hbm>>
      tpu.wait_indirect_dma semaphore(%arg12 : memref<!tpu.dma_semaphore, #tpu.memory_space<semaphore_mem>>) src(%dma_wait3A_240 : memref<8000000x16xf32, #tpu.memory_space<hbm>>) dst(%dma_wait3A_234 : memref<100x16xf32, #tpu.memory_space<vmem>>)
      %add3A_241 = arith.constant 4 : i32
      %add3A_242 = arith.addi %add3A_214, %add3A_241 : i32
      %lt3A_243 = arith.constant 128 : i32
      %lt3A_244 = arith.cmpi slt, %add3A_242, %lt3A_243 : i32
      %convert_element_type3A_245 = arith.extui %lt3A_244 : i1 to i32
      %cond3A_246 = arith.constant 0 : i32
      %cond3A_247 = arith.cmpi ne, %convert_element_type3A_245, %cond3A_246 : i32
      scf.if %cond3A_247 {
        %add3A_306 = arith.constant 4 : i32
        %add3A_307 = arith.addi %add3A_214, %add3A_306 : i32
        %dma_start3A_308 = arith.constant 0 : i32
        %dma_start3A_309 = arith.constant 2 : i32
        %dma_start3A_310 = arith.constant 0 : i32
        %dma_start3A_311 = arith.constant 0 : i32
        %dma_start3A_312 = arith.constant 0 : i32
        %dma_start3A_313 = tpu.memref_slice %arg7[%dma_start3A_309, %dma_start3A_310, %dma_start3A_311, %dma_start3A_312] : memref<4x2x100x16xf32, #tpu.memory_space<vmem>> -> memref<1x1x100x16xf32, #tpu.memory_space<vmem>>
        %dma_start3A_314 = tpu.memref_squeeze %dma_start3A_313 : memref<1x1x100x16xf32, #tpu.memory_space<vmem>> -> memref<100x16xf32, #tpu.memory_space<vmem>>
        %dma_start3A_315 = arith.constant 0 : i32
        %dma_start3A_316 = tpu.memref_slice %arg6[%add3A_307, %dma_start3A_308, %dma_start3A_315] : memref<128x2x100xi32, #tpu.memory_space<vmem>> -> memref<1x1x100xi32, #tpu.memory_space<vmem>>
        %dma_start3A_317 = tpu.memref_squeeze %dma_start3A_316 : memref<1x1x100xi32, #tpu.memory_space<vmem>> -> memref<100xi32, #tpu.memory_space<vmem>>
        %dma_start3A_318 = arith.constant 0 : i32
        %dma_start3A_319 = arith.constant 0 : i32
        %dma_start3A_320 = tpu.memref_slice %arg3[%dma_start3A_318, %dma_start3A_319] : memref<8000000x16xf32, #tpu.memory_space<hbm>> -> memref<8000000x16xf32, #tpu.memory_space<hbm>>
        tpu.enqueue_indirect_dma source(%dma_start3A_320 : memref<8000000x16xf32, #tpu.memory_space<hbm>>) target(%dma_start3A_314 : memref<100x16xf32, #tpu.memory_space<vmem>>) offsets(%dma_start3A_317 : memref<100xi32, #tpu.memory_space<vmem>>) semaphore(%arg12 : memref<!tpu.dma_semaphore, #tpu.memory_space<semaphore_mem>>)
        %dma_start3A_321 = arith.constant 1 : i32
        %dma_start3A_322 = arith.constant 2 : i32
        %dma_start3A_323 = arith.constant 1 : i32
        %dma_start3A_324 = arith.constant 0 : i32
        %dma_start3A_325 = arith.constant 0 : i32
        %dma_start3A_326 = tpu.memref_slice %arg7[%dma_start3A_322, %dma_start3A_323, %dma_start3A_324, %dma_start3A_325] : memref<4x2x100x16xf32, #tpu.memory_space<vmem>> -> memref<1x1x100x16xf32, #tpu.memory_space<vmem>>
        %dma_start3A_327 = tpu.memref_squeeze %dma_start3A_326 : memref<1x1x100x16xf32, #tpu.memory_space<vmem>> -> memref<100x16xf32, #tpu.memory_space<vmem>>
        %dma_start3A_328 = arith.constant 0 : i32
        %dma_start3A_329 = tpu.memref_slice %arg6[%add3A_307, %dma_start3A_321, %dma_start3A_328] : memref<128x2x100xi32, #tpu.memory_space<vmem>> -> memref<1x1x100xi32, #tpu.memory_space<vmem>>
        %dma_start3A_330 = tpu.memref_squeeze %dma_start3A_329 : memref<1x1x100xi32, #tpu.memory_space<vmem>> -> memref<100xi32, #tpu.memory_space<vmem>>
        %dma_start3A_331 = arith.constant 0 : i32
        %dma_start3A_332 = arith.constant 0 : i32
        %dma_start3A_333 = tpu.memref_slice %arg3[%dma_start3A_331, %dma_start3A_332] : memref<8000000x16xf32, #tpu.memory_space<hbm>> -> memref<8000000x16xf32, #tpu.memory_space<hbm>>
        tpu.enqueue_indirect_dma source(%dma_start3A_333 : memref<8000000x16xf32, #tpu.memory_space<hbm>>) target(%dma_start3A_327 : memref<100x16xf32, #tpu.memory_space<vmem>>) offsets(%dma_start3A_330 : memref<100xi32, #tpu.memory_space<vmem>>) semaphore(%arg12 : memref<!tpu.dma_semaphore, #tpu.memory_space<semaphore_mem>>)
      } else {
      }
      %scan3A_248 = arith.constant 0 : i32
      %scan3A_249 = arith.constant 25 : i32
      %scan3A_250 = arith.addi %scan3A_248, %scan3A_249 : i32
      %scan3A_251 = arith.constant 1 : i32
      %scan3A_252 = scf.for %scan3A_306 = %scan3A_248 to %scan3A_250 step %scan3A_251 iter_args(%scan3A_307 = %get3A_4) -> (vector<16xf32>)  : i32 {
        %mul3A_308 = arith.constant 4 : i32
        %mul3A_309 = arith.muli %mul3A_308, %scan3A_306 : i32
        %add3A_310 = arith.constant 0 : i32
        %add3A_311 = arith.addi %mul3A_309, %add3A_310 : i32
        %get3A_312 = arith.constant 2 : i32
        %get3A_313 = arith.constant 0 : i32
        %get3A_314 = arith.index_cast %get3A_312 : i32 to index
        %get3A_315 = arith.index_cast %get3A_313 : i32 to index
        %get3A_316 = arith.index_cast %add3A_311 : i32 to index
        %get3A_317 = arith.constant 0 : index
        %get3A_318 = tpu.vector_load %arg7[%get3A_314, %get3A_315, %get3A_316, %get3A_317] {strides = array<i32>} : memref<4x2x100x16xf32, #tpu.memory_space<vmem>>, vector<1x1x1x16xf32>,
        %get3A_319 = vector.shape_cast %get3A_318 : vector<1x1x1x16xf32> to vector<16xf32>
        %add3A_320 = arith.addf %scan3A_307, %get3A_319 : vector<16xf32>
        %mul3A_321 = arith.constant 4 : i32
        %mul3A_322 = arith.muli %mul3A_321, %scan3A_306 : i32
        %add3A_323 = arith.constant 0 : i32
        %add3A_324 = arith.addi %mul3A_322, %add3A_323 : i32
        %get3A_325 = arith.constant 2 : i32
        %get3A_326 = arith.constant 1 : i32
        %get3A_327 = arith.index_cast %get3A_325 : i32 to index
        %get3A_328 = arith.index_cast %get3A_326 : i32 to index
        %get3A_329 = arith.index_cast %add3A_324 : i32 to index
        %get3A_330 = arith.constant 0 : index
        %get3A_331 = tpu.vector_load %arg7[%get3A_327, %get3A_328, %get3A_329, %get3A_330] {strides = array<i32>} : memref<4x2x100x16xf32, #tpu.memory_space<vmem>>, vector<1x1x1x16xf32>,
        %get3A_332 = vector.shape_cast %get3A_331 : vector<1x1x1x16xf32> to vector<16xf32>
        %add3A_333 = arith.addf %add3A_320, %get3A_332 : vector<16xf32>
        %mul3A_334 = arith.constant 4 : i32
        %mul3A_335 = arith.muli %mul3A_334, %scan3A_306 : i32
        %add3A_336 = arith.constant 1 : i32
        %add3A_337 = arith.addi %mul3A_335, %add3A_336 : i32
        %get3A_338 = arith.constant 2 : i32
        %get3A_339 = arith.constant 0 : i32
        %get3A_340 = arith.index_cast %get3A_338 : i32 to index
        %get3A_341 = arith.index_cast %get3A_339 : i32 to index
        %get3A_342 = arith.index_cast %add3A_337 : i32 to index
        %get3A_343 = arith.constant 0 : index
        %get3A_344 = tpu.vector_load %arg7[%get3A_340, %get3A_341, %get3A_342, %get3A_343] {strides = array<i32>} : memref<4x2x100x16xf32, #tpu.memory_space<vmem>>, vector<1x1x1x16xf32>,
        %get3A_345 = vector.shape_cast %get3A_344 : vector<1x1x1x16xf32> to vector<16xf32>
        %add3A_346 = arith.addf %add3A_333, %get3A_345 : vector<16xf32>
        %mul3A_347 = arith.constant 4 : i32
        %mul3A_348 = arith.muli %mul3A_347, %scan3A_306 : i32
        %add3A_349 = arith.constant 1 : i32
        %add3A_350 = arith.addi %mul3A_348, %add3A_349 : i32
        %get3A_351 = arith.constant 2 : i32
        %get3A_352 = arith.constant 1 : i32
        %get3A_353 = arith.index_cast %get3A_351 : i32 to index
        %get3A_354 = arith.index_cast %get3A_352 : i32 to index
        %get3A_355 = arith.index_cast %add3A_350 : i32 to index
        %get3A_356 = arith.constant 0 : index
        %get3A_357 = tpu.vector_load %arg7[%get3A_353, %get3A_354, %get3A_355, %get3A_356] {strides = array<i32>} : memref<4x2x100x16xf32, #tpu.memory_space<vmem>>, vector<1x1x1x16xf32>,
        %get3A_358 = vector.shape_cast %get3A_357 : vector<1x1x1x16xf32> to vector<16xf32>
        %add3A_359 = arith.addf %add3A_346, %get3A_358 : vector<16xf32>
        %mul3A_360 = arith.constant 4 : i32
        %mul3A_361 = arith.muli %mul3A_360, %scan3A_306 : i32
        %add3A_362 = arith.constant 2 : i32
        %add3A_363 = arith.addi %mul3A_361, %add3A_362 : i32
        %get3A_364 = arith.constant 2 : i32
        %get3A_365 = arith.constant 0 : i32
        %get3A_366 = arith.index_cast %get3A_364 : i32 to index
        %get3A_367 = arith.index_cast %get3A_365 : i32 to index
        %get3A_368 = arith.index_cast %add3A_363 : i32 to index
        %get3A_369 = arith.constant 0 : index
        %get3A_370 = tpu.vector_load %arg7[%get3A_366, %get3A_367, %get3A_368, %get3A_369] {strides = array<i32>} : memref<4x2x100x16xf32, #tpu.memory_space<vmem>>, vector<1x1x1x16xf32>,
        %get3A_371 = vector.shape_cast %get3A_370 : vector<1x1x1x16xf32> to vector<16xf32>
        %add3A_372 = arith.addf %add3A_359, %get3A_371 : vector<16xf32>
        %mul3A_373 = arith.constant 4 : i32
        %mul3A_374 = arith.muli %mul3A_373, %scan3A_306 : i32
        %add3A_375 = arith.constant 2 : i32
        %add3A_376 = arith.addi %mul3A_374, %add3A_375 : i32
        %get3A_377 = arith.constant 2 : i32
        %get3A_378 = arith.constant 1 : i32
        %get3A_379 = arith.index_cast %get3A_377 : i32 to index
        %get3A_380 = arith.index_cast %get3A_378 : i32 to index
        %get3A_381 = arith.index_cast %add3A_376 : i32 to index
        %get3A_382 = arith.constant 0 : index
        %get3A_383 = tpu.vector_load %arg7[%get3A_379, %get3A_380, %get3A_381, %get3A_382] {strides = array<i32>} : memref<4x2x100x16xf32, #tpu.memory_space<vmem>>, vector<1x1x1x16xf32>,
        %get3A_384 = vector.shape_cast %get3A_383 : vector<1x1x1x16xf32> to vector<16xf32>
        %add3A_385 = arith.addf %add3A_372, %get3A_384 : vector<16xf32>
        %mul3A_386 = arith.constant 4 : i32
        %mul3A_387 = arith.muli %mul3A_386, %scan3A_306 : i32
        %add3A_388 = arith.constant 3 : i32
        %add3A_389 = arith.addi %mul3A_387, %add3A_388 : i32
        %get3A_390 = arith.constant 2 : i32
        %get3A_391 = arith.constant 0 : i32
        %get3A_392 = arith.index_cast %get3A_390 : i32 to index
        %get3A_393 = arith.index_cast %get3A_391 : i32 to index
        %get3A_394 = arith.index_cast %add3A_389 : i32 to index
        %get3A_395 = arith.constant 0 : index
        %get3A_396 = tpu.vector_load %arg7[%get3A_392, %get3A_393, %get3A_394, %get3A_395] {strides = array<i32>} : memref<4x2x100x16xf32, #tpu.memory_space<vmem>>, vector<1x1x1x16xf32>,
        %get3A_397 = vector.shape_cast %get3A_396 : vector<1x1x1x16xf32> to vector<16xf32>
        %add3A_398 = arith.addf %add3A_385, %get3A_397 : vector<16xf32>
        %mul3A_399 = arith.constant 4 : i32
        %mul3A_400 = arith.muli %mul3A_399, %scan3A_306 : i32
        %add3A_401 = arith.constant 3 : i32
        %add3A_402 = arith.addi %mul3A_400, %add3A_401 : i32
        %get3A_403 = arith.constant 2 : i32
        %get3A_404 = arith.constant 1 : i32
        %get3A_405 = arith.index_cast %get3A_403 : i32 to index
        %get3A_406 = arith.index_cast %get3A_404 : i32 to index
        %get3A_407 = arith.index_cast %add3A_402 : i32 to index
        %get3A_408 = arith.constant 0 : index
        %get3A_409 = tpu.vector_load %arg7[%get3A_405, %get3A_406, %get3A_407, %get3A_408] {strides = array<i32>} : memref<4x2x100x16xf32, #tpu.memory_space<vmem>>, vector<1x1x1x16xf32>,
        %get3A_410 = vector.shape_cast %get3A_409 : vector<1x1x1x16xf32> to vector<16xf32>
        %add3A_411 = arith.addf %add3A_398, %get3A_410 : vector<16xf32>
        scf.yield %add3A_411 : vector<16xf32>
      }
      %scan3A_253 = arith.constant 25 : i32
      %swap3A_254 = arith.index_cast %add3A_214 : i32 to index
      %swap3A_255 = arith.constant 0 : index
      %swap3A_256 = tpu.vector_load %arg8[%swap3A_254, %swap3A_255] {strides = array<i32>} : memref<128x16xf32, #tpu.memory_space<vmem>>, vector<1x16xf32>,
      %swap3A_257 = vector.shape_cast %swap3A_256 : vector<1x16xf32> to vector<16xf32>
      %swap3A_258 = vector.shape_cast %scan3A_252 : vector<16xf32> to vector<1x16xf32>
      tpu.vector_store %arg8[%swap3A_254, %swap3A_255], %swap3A_258 {strides = array<i32>} : memref<128x16xf32, #tpu.memory_space<vmem>>, vector<1x16xf32>,
      %add3A_259 = arith.constant 3 : i32
      %add3A_260 = arith.addi %mul3A_125, %add3A_259 : i32
      %dma_wait3A_261 = arith.constant 0 : i32
      %dma_wait3A_262 = arith.constant 3 : i32
      %dma_wait3A_263 = arith.constant 0 : i32
      %dma_wait3A_264 = arith.constant 0 : i32
      %dma_wait3A_265 = arith.constant 0 : i32
      %dma_wait3A_266 = tpu.memref_slice %arg7[%dma_wait3A_262, %dma_wait3A_263, %dma_wait3A_264, %dma_wait3A_265] : memref<4x2x100x16xf32, #tpu.memory_space<vmem>> -> memref<1x1x100x16xf32, #tpu.memory_space<vmem>>
      %dma_wait3A_267 = tpu.memref_squeeze %dma_wait3A_266 : memref<1x1x100x16xf32, #tpu.memory_space<vmem>> -> memref<100x16xf32, #tpu.memory_space<vmem>>
      %dma_wait3A_268 = arith.constant 0 : i32
      %dma_wait3A_269 = tpu.memref_slice %arg6[%add3A_260, %dma_wait3A_261, %dma_wait3A_268] : memref<128x2x100xi32, #tpu.memory_space<vmem>> -> memref<1x1x100xi32, #tpu.memory_space<vmem>>
      %dma_wait3A_270 = tpu.memref_squeeze %dma_wait3A_269 : memref<1x1x100xi32, #tpu.memory_space<vmem>> -> memref<100xi32, #tpu.memory_space<vmem>>
      %dma_wait3A_271 = arith.constant 0 : i32
      %dma_wait3A_272 = arith.constant 0 : i32
      %dma_wait3A_273 = tpu.memref_slice %arg3[%dma_wait3A_271, %dma_wait3A_272] : memref<8000000x16xf32, #tpu.memory_space<hbm>> -> memref<8000000x16xf32, #tpu.memory_space<hbm>>
      tpu.wait_indirect_dma semaphore(%arg13 : memref<!tpu.dma_semaphore, #tpu.memory_space<semaphore_mem>>) src(%dma_wait3A_273 : memref<8000000x16xf32, #tpu.memory_space<hbm>>) dst(%dma_wait3A_267 : memref<100x16xf32, #tpu.memory_space<vmem>>)
      %dma_wait3A_274 = arith.constant 1 : i32
      %dma_wait3A_275 = arith.constant 3 : i32
      %dma_wait3A_276 = arith.constant 1 : i32
      %dma_wait3A_277 = arith.constant 0 : i32
      %dma_wait3A_278 = arith.constant 0 : i32
      %dma_wait3A_279 = tpu.memref_slice %arg7[%dma_wait3A_275, %dma_wait3A_276, %dma_wait3A_277, %dma_wait3A_278] : memref<4x2x100x16xf32, #tpu.memory_space<vmem>> -> memref<1x1x100x16xf32, #tpu.memory_space<vmem>>
      %dma_wait3A_280 = tpu.memref_squeeze %dma_wait3A_279 : memref<1x1x100x16xf32, #tpu.memory_space<vmem>> -> memref<100x16xf32, #tpu.memory_space<vmem>>
      %dma_wait3A_281 = arith.constant 0 : i32
      %dma_wait3A_282 = tpu.memref_slice %arg6[%add3A_260, %dma_wait3A_274, %dma_wait3A_281] : memref<128x2x100xi32, #tpu.memory_space<vmem>> -> memref<1x1x100xi32, #tpu.memory_space<vmem>>
      %dma_wait3A_283 = tpu.memref_squeeze %dma_wait3A_282 : memref<1x1x100xi32, #tpu.memory_space<vmem>> -> memref<100xi32, #tpu.memory_space<vmem>>
      %dma_wait3A_284 = arith.constant 0 : i32
      %dma_wait3A_285 = arith.constant 0 : i32
      %dma_wait3A_286 = tpu.memref_slice %arg3[%dma_wait3A_284, %dma_wait3A_285] : memref<8000000x16xf32, #tpu.memory_space<hbm>> -> memref<8000000x16xf32, #tpu.memory_space<hbm>>
      tpu.wait_indirect_dma semaphore(%arg13 : memref<!tpu.dma_semaphore, #tpu.memory_space<semaphore_mem>>) src(%dma_wait3A_286 : memref<8000000x16xf32, #tpu.memory_space<hbm>>) dst(%dma_wait3A_280 : memref<100x16xf32, #tpu.memory_space<vmem>>)
      %add3A_287 = arith.constant 4 : i32
      %add3A_288 = arith.addi %add3A_260, %add3A_287 : i32
      %lt3A_289 = arith.constant 128 : i32
      %lt3A_290 = arith.cmpi slt, %add3A_288, %lt3A_289 : i32
      %convert_element_type3A_291 = arith.extui %lt3A_290 : i1 to i32
      %cond3A_292 = arith.constant 0 : i32
      %cond3A_293 = arith.cmpi ne, %convert_element_type3A_291, %cond3A_292 : i32
      scf.if %cond3A_293 {
        %add3A_306 = arith.constant 4 : i32
        %add3A_307 = arith.addi %add3A_260, %add3A_306 : i32
        %dma_start3A_308 = arith.constant 0 : i32
        %dma_start3A_309 = arith.constant 3 : i32
        %dma_start3A_310 = arith.constant 0 : i32
        %dma_start3A_311 = arith.constant 0 : i32
        %dma_start3A_312 = arith.constant 0 : i32
        %dma_start3A_313 = tpu.memref_slice %arg7[%dma_start3A_309, %dma_start3A_310, %dma_start3A_311, %dma_start3A_312] : memref<4x2x100x16xf32, #tpu.memory_space<vmem>> -> memref<1x1x100x16xf32, #tpu.memory_space<vmem>>
        %dma_start3A_314 = tpu.memref_squeeze %dma_start3A_313 : memref<1x1x100x16xf32, #tpu.memory_space<vmem>> -> memref<100x16xf32, #tpu.memory_space<vmem>>
        %dma_start3A_315 = arith.constant 0 : i32
        %dma_start3A_316 = tpu.memref_slice %arg6[%add3A_307, %dma_start3A_308, %dma_start3A_315] : memref<128x2x100xi32, #tpu.memory_space<vmem>> -> memref<1x1x100xi32, #tpu.memory_space<vmem>>
        %dma_start3A_317 = tpu.memref_squeeze %dma_start3A_316 : memref<1x1x100xi32, #tpu.memory_space<vmem>> -> memref<100xi32, #tpu.memory_space<vmem>>
        %dma_start3A_318 = arith.constant 0 : i32
        %dma_start3A_319 = arith.constant 0 : i32
        %dma_start3A_320 = tpu.memref_slice %arg3[%dma_start3A_318, %dma_start3A_319] : memref<8000000x16xf32, #tpu.memory_space<hbm>> -> memref<8000000x16xf32, #tpu.memory_space<hbm>>
        tpu.enqueue_indirect_dma source(%dma_start3A_320 : memref<8000000x16xf32, #tpu.memory_space<hbm>>) target(%dma_start3A_314 : memref<100x16xf32, #tpu.memory_space<vmem>>) offsets(%dma_start3A_317 : memref<100xi32, #tpu.memory_space<vmem>>) semaphore(%arg13 : memref<!tpu.dma_semaphore, #tpu.memory_space<semaphore_mem>>)
        %dma_start3A_321 = arith.constant 1 : i32
        %dma_start3A_322 = arith.constant 3 : i32
        %dma_start3A_323 = arith.constant 1 : i32
        %dma_start3A_324 = arith.constant 0 : i32
        %dma_start3A_325 = arith.constant 0 : i32
        %dma_start3A_326 = tpu.memref_slice %arg7[%dma_start3A_322, %dma_start3A_323, %dma_start3A_324, %dma_start3A_325] : memref<4x2x100x16xf32, #tpu.memory_space<vmem>> -> memref<1x1x100x16xf32, #tpu.memory_space<vmem>>
        %dma_start3A_327 = tpu.memref_squeeze %dma_start3A_326 : memref<1x1x100x16xf32, #tpu.memory_space<vmem>> -> memref<100x16xf32, #tpu.memory_space<vmem>>
        %dma_start3A_328 = arith.constant 0 : i32
        %dma_start3A_329 = tpu.memref_slice %arg6[%add3A_307, %dma_start3A_321, %dma_start3A_328] : memref<128x2x100xi32, #tpu.memory_space<vmem>> -> memref<1x1x100xi32, #tpu.memory_space<vmem>>
        %dma_start3A_330 = tpu.memref_squeeze %dma_start3A_329 : memref<1x1x100xi32, #tpu.memory_space<vmem>> -> memref<100xi32, #tpu.memory_space<vmem>>
        %dma_start3A_331 = arith.constant 0 : i32
        %dma_start3A_332 = arith.constant 0 : i32
        %dma_start3A_333 = tpu.memref_slice %arg3[%dma_start3A_331, %dma_start3A_332] : memref<8000000x16xf32, #tpu.memory_space<hbm>> -> memref<8000000x16xf32, #tpu.memory_space<hbm>>
        tpu.enqueue_indirect_dma source(%dma_start3A_333 : memref<8000000x16xf32, #tpu.memory_space<hbm>>) target(%dma_start3A_327 : memref<100x16xf32, #tpu.memory_space<vmem>>) offsets(%dma_start3A_330 : memref<100xi32, #tpu.memory_space<vmem>>) semaphore(%arg13 : memref<!tpu.dma_semaphore, #tpu.memory_space<semaphore_mem>>)
      } else {
      }
      %scan3A_294 = arith.constant 0 : i32
      %scan3A_295 = arith.constant 25 : i32
      %scan3A_296 = arith.addi %scan3A_294, %scan3A_295 : i32
      %scan3A_297 = arith.constant 1 : i32
      %scan3A_298 = scf.for %scan3A_306 = %scan3A_294 to %scan3A_296 step %scan3A_297 iter_args(%scan3A_307 = %get3A_4) -> (vector<16xf32>)  : i32 {
        %mul3A_308 = arith.constant 4 : i32
        %mul3A_309 = arith.muli %mul3A_308, %scan3A_306 : i32
        %add3A_310 = arith.constant 0 : i32
        %add3A_311 = arith.addi %mul3A_309, %add3A_310 : i32
        %get3A_312 = arith.constant 3 : i32
        %get3A_313 = arith.constant 0 : i32
        %get3A_314 = arith.index_cast %get3A_312 : i32 to index
        %get3A_315 = arith.index_cast %get3A_313 : i32 to index
        %get3A_316 = arith.index_cast %add3A_311 : i32 to index
        %get3A_317 = arith.constant 0 : index
        %get3A_318 = tpu.vector_load %arg7[%get3A_314, %get3A_315, %get3A_316, %get3A_317] {strides = array<i32>} : memref<4x2x100x16xf32, #tpu.memory_space<vmem>>, vector<1x1x1x16xf32>,
        %get3A_319 = vector.shape_cast %get3A_318 : vector<1x1x1x16xf32> to vector<16xf32>
        %add3A_320 = arith.addf %scan3A_307, %get3A_319 : vector<16xf32>
        %mul3A_321 = arith.constant 4 : i32
        %mul3A_322 = arith.muli %mul3A_321, %scan3A_306 : i32
        %add3A_323 = arith.constant 0 : i32
        %add3A_324 = arith.addi %mul3A_322, %add3A_323 : i32
        %get3A_325 = arith.constant 3 : i32
        %get3A_326 = arith.constant 1 : i32
        %get3A_327 = arith.index_cast %get3A_325 : i32 to index
        %get3A_328 = arith.index_cast %get3A_326 : i32 to index
        %get3A_329 = arith.index_cast %add3A_324 : i32 to index
        %get3A_330 = arith.constant 0 : index
        %get3A_331 = tpu.vector_load %arg7[%get3A_327, %get3A_328, %get3A_329, %get3A_330] {strides = array<i32>} : memref<4x2x100x16xf32, #tpu.memory_space<vmem>>, vector<1x1x1x16xf32>,
        %get3A_332 = vector.shape_cast %get3A_331 : vector<1x1x1x16xf32> to vector<16xf32>
        %add3A_333 = arith.addf %add3A_320, %get3A_332 : vector<16xf32>
        %mul3A_334 = arith.constant 4 : i32
        %mul3A_335 = arith.muli %mul3A_334, %scan3A_306 : i32
        %add3A_336 = arith.constant 1 : i32
        %add3A_337 = arith.addi %mul3A_335, %add3A_336 : i32
        %get3A_338 = arith.constant 3 : i32
        %get3A_339 = arith.constant 0 : i32
        %get3A_340 = arith.index_cast %get3A_338 : i32 to index
        %get3A_341 = arith.index_cast %get3A_339 : i32 to index
        %get3A_342 = arith.index_cast %add3A_337 : i32 to index
        %get3A_343 = arith.constant 0 : index
        %get3A_344 = tpu.vector_load %arg7[%get3A_340, %get3A_341, %get3A_342, %get3A_343] {strides = array<i32>} : memref<4x2x100x16xf32, #tpu.memory_space<vmem>>, vector<1x1x1x16xf32>,
        %get3A_345 = vector.shape_cast %get3A_344 : vector<1x1x1x16xf32> to vector<16xf32>
        %add3A_346 = arith.addf %add3A_333, %get3A_345 : vector<16xf32>
        %mul3A_347 = arith.constant 4 : i32
        %mul3A_348 = arith.muli %mul3A_347, %scan3A_306 : i32
        %add3A_349 = arith.constant 1 : i32
        %add3A_350 = arith.addi %mul3A_348, %add3A_349 : i32
        %get3A_351 = arith.constant 3 : i32
        %get3A_352 = arith.constant 1 : i32
        %get3A_353 = arith.index_cast %get3A_351 : i32 to index
        %get3A_354 = arith.index_cast %get3A_352 : i32 to index
        %get3A_355 = arith.index_cast %add3A_350 : i32 to index
        %get3A_356 = arith.constant 0 : index
        %get3A_357 = tpu.vector_load %arg7[%get3A_353, %get3A_354, %get3A_355, %get3A_356] {strides = array<i32>} : memref<4x2x100x16xf32, #tpu.memory_space<vmem>>, vector<1x1x1x16xf32>,
        %get3A_358 = vector.shape_cast %get3A_357 : vector<1x1x1x16xf32> to vector<16xf32>
        %add3A_359 = arith.addf %add3A_346, %get3A_358 : vector<16xf32>
        %mul3A_360 = arith.constant 4 : i32
        %mul3A_361 = arith.muli %mul3A_360, %scan3A_306 : i32
        %add3A_362 = arith.constant 2 : i32
        %add3A_363 = arith.addi %mul3A_361, %add3A_362 : i32
        %get3A_364 = arith.constant 3 : i32
        %get3A_365 = arith.constant 0 : i32
        %get3A_366 = arith.index_cast %get3A_364 : i32 to index
        %get3A_367 = arith.index_cast %get3A_365 : i32 to index
        %get3A_368 = arith.index_cast %add3A_363 : i32 to index
        %get3A_369 = arith.constant 0 : index
        %get3A_370 = tpu.vector_load %arg7[%get3A_366, %get3A_367, %get3A_368, %get3A_369] {strides = array<i32>} : memref<4x2x100x16xf32, #tpu.memory_space<vmem>>, vector<1x1x1x16xf32>,
        %get3A_371 = vector.shape_cast %get3A_370 : vector<1x1x1x16xf32> to vector<16xf32>
        %add3A_372 = arith.addf %add3A_359, %get3A_371 : vector<16xf32>
        %mul3A_373 = arith.constant 4 : i32
        %mul3A_374 = arith.muli %mul3A_373, %scan3A_306 : i32
        %add3A_375 = arith.constant 2 : i32
        %add3A_376 = arith.addi %mul3A_374, %add3A_375 : i32
        %get3A_377 = arith.constant 3 : i32
        %get3A_378 = arith.constant 1 : i32
        %get3A_379 = arith.index_cast %get3A_377 : i32 to index
        %get3A_380 = arith.index_cast %get3A_378 : i32 to index
        %get3A_381 = arith.index_cast %add3A_376 : i32 to index
        %get3A_382 = arith.constant 0 : index
        %get3A_383 = tpu.vector_load %arg7[%get3A_379, %get3A_380, %get3A_381, %get3A_382] {strides = array<i32>} : memref<4x2x100x16xf32, #tpu.memory_space<vmem>>, vector<1x1x1x16xf32>,
        %get3A_384 = vector.shape_cast %get3A_383 : vector<1x1x1x16xf32> to vector<16xf32>
        %add3A_385 = arith.addf %add3A_372, %get3A_384 : vector<16xf32>
        %mul3A_386 = arith.constant 4 : i32
        %mul3A_387 = arith.muli %mul3A_386, %scan3A_306 : i32
        %add3A_388 = arith.constant 3 : i32
        %add3A_389 = arith.addi %mul3A_387, %add3A_388 : i32
        %get3A_390 = arith.constant 3 : i32
        %get3A_391 = arith.constant 0 : i32
        %get3A_392 = arith.index_cast %get3A_390 : i32 to index
        %get3A_393 = arith.index_cast %get3A_391 : i32 to index
        %get3A_394 = arith.index_cast %add3A_389 : i32 to index
        %get3A_395 = arith.constant 0 : index
        %get3A_396 = tpu.vector_load %arg7[%get3A_392, %get3A_393, %get3A_394, %get3A_395] {strides = array<i32>} : memref<4x2x100x16xf32, #tpu.memory_space<vmem>>, vector<1x1x1x16xf32>,
        %get3A_397 = vector.shape_cast %get3A_396 : vector<1x1x1x16xf32> to vector<16xf32>
        %add3A_398 = arith.addf %add3A_385, %get3A_397 : vector<16xf32>
        %mul3A_399 = arith.constant 4 : i32
        %mul3A_400 = arith.muli %mul3A_399, %scan3A_306 : i32
        %add3A_401 = arith.constant 3 : i32
        %add3A_402 = arith.addi %mul3A_400, %add3A_401 : i32
        %get3A_403 = arith.constant 3 : i32
        %get3A_404 = arith.constant 1 : i32
        %get3A_405 = arith.index_cast %get3A_403 : i32 to index
        %get3A_406 = arith.index_cast %get3A_404 : i32 to index
        %get3A_407 = arith.index_cast %add3A_402 : i32 to index
        %get3A_408 = arith.constant 0 : index
        %get3A_409 = tpu.vector_load %arg7[%get3A_405, %get3A_406, %get3A_407, %get3A_408] {strides = array<i32>} : memref<4x2x100x16xf32, #tpu.memory_space<vmem>>, vector<1x1x1x16xf32>,
        %get3A_410 = vector.shape_cast %get3A_409 : vector<1x1x1x16xf32> to vector<16xf32>
        %add3A_411 = arith.addf %add3A_398, %get3A_410 : vector<16xf32>
        scf.yield %add3A_411 : vector<16xf32>
      }
      %scan3A_299 = arith.constant 25 : i32
      %swap3A_300 = arith.index_cast %add3A_260 : i32 to index
      %swap3A_301 = arith.constant 0 : index
      %swap3A_302 = tpu.vector_load %arg8[%swap3A_300, %swap3A_301] {strides = array<i32>} : memref<128x16xf32, #tpu.memory_space<vmem>>, vector<1x16xf32>,
      %swap3A_303 = vector.shape_cast %swap3A_302 : vector<1x16xf32> to vector<16xf32>
      %swap3A_304 = vector.shape_cast %scan3A_298 : vector<16xf32> to vector<1x16xf32>
      tpu.vector_store %arg8[%swap3A_300, %swap3A_301], %swap3A_304 {strides = array<i32>} : memref<128x16xf32, #tpu.memory_space<vmem>>, vector<1x16xf32>,
      %scan3A_305 = arith.constant 0 : i32
      scf.yield %scan3A_305 : i32
    }
    %scan3A_121 = arith.constant 32 : i32
    "tpu.region"() ({
      %run_scoped3A = tpu.sem_alloc : memref<!tpu.dma_semaphore, #tpu.memory_space<semaphore_mem>>
      %dma_start3A_122 = arith.constant 0 : i32
      %dma_start3A_123 = tpu.memref_slice %arg5[%mul3A_2, %dma_start3A_122] : memref<4096x16xf32, #tpu.memory_space<hbm>> -> memref<128x16xf32, #tpu.memory_space<hbm>>
      %dma_start3A_124 = arith.constant 0 : i32
      %dma_start3A_125 = tpu.memref_slice %arg5[%mul3A_2, %dma_start3A_124] : memref<4096x16xf32, #tpu.memory_space<hbm>> -> memref<128x16xf32, #tpu.memory_space<hbm>>
      tpu.enqueue_dma source(%arg8 : memref<128x16xf32, #tpu.memory_space<vmem>>) target(%dma_start3A_125 : memref<128x16xf32, #tpu.memory_space<hbm>>) target_semaphore(%run_scoped3A : memref<!tpu.dma_semaphore, #tpu.memory_space<semaphore_mem>>)
      %dma_wait3A = arith.constant 0 : i32
      %dma_wait3A_126 = tpu.memref_slice %arg5[%mul3A_2, %dma_wait3A] : memref<4096x16xf32, #tpu.memory_space<hbm>> -> memref<128x16xf32, #tpu.memory_space<hbm>>
      %dma_wait3A_127 = arith.constant 0 : i32
      %dma_wait3A_128 = tpu.memref_slice %arg5[%mul3A_2, %dma_wait3A_127] : memref<4096x16xf32, #tpu.memory_space<hbm>> -> memref<128x16xf32, #tpu.memory_space<hbm>>
      tpu.wait_dma2 semaphore(%run_scoped3A : memref<!tpu.dma_semaphore, #tpu.memory_space<semaphore_mem>>) src(%arg8 : memref<128x16xf32, #tpu.memory_space<vmem>>) dst(%dma_wait3A_128 : memref<128x16xf32, #tpu.memory_space<hbm>>)
      tpu.yield
    }) : () -> ()
    return
  }
}

module attributes {stable_mosaic.version = 14 : i64} {
  func.func @_mm_body(%arg0: i32, %arg1: memref<64x16384xf32, #tpu.memory_space<vmem>>, %arg2: memref<16x64xf32, #tpu.memory_space<vmem>>, %arg3: memref<16384x128xf32, #tpu.memory_space<vmem>>) attributes {dimension_semantics = [#tpu.dimension_semantics<arbitrary>], iteration_bounds = array<i64: 62>, scalar_prefetch = 0 : i64, scratch_operands = 0 : i64, tpu.core_type = #tpu.core_type<tc>, window_params = [{transform_indices = @transform_0, window_bounds = array<i64: 64, 16384>}, {pipeline_mode = #tpu.pipeline_mode<synchronous>, transform_indices = @transform_1, window_bounds = array<i64: 16, 64>}, {transform_indices = @transform_2, window_bounds = array<i64: 16384, 128>}]} {
    %get3A = arith.constant 0 : index
    %get3A_0 = arith.constant 0 : index
    %get3A_1 = vector.load %arg2[%get3A, %get3A_0] : memref<16x64xf32, #tpu.memory_space<vmem>>, vector<16x64xf32>
    %mul3A = arith.constant 5.000000e-03 : f32
    %mul3A_2 = vector.broadcast %mul3A : f32 to vector<16x64xf32>
    %mul3A_3 = arith.mulf %get3A_1, %mul3A_2 : vector<16x64xf32>
    %broadcast_in_dim3A = arith.constant 0.000000e+00 : f32
    %broadcast_in_dim3A_4 = vector.broadcast %broadcast_in_dim3A : f32 to vector<112x64xf32>
    %concatenate3A = tpu.concatenate %mul3A_3, %broadcast_in_dim3A_4 in 0 : vector<16x64xf32>, vector<112x64xf32> -> vector<128x64xf32>
    %get3A_5 = arith.constant 0 : index
    %get3A_6 = arith.constant 0 : index
    %get3A_7 = vector.load %arg1[%get3A_5, %get3A_6] : memref<64x16384xf32, #tpu.memory_space<vmem>>, vector<64x16384xf32>
    %dot_general3A = arith.constant dense<0.000000e+00> : vector<16384x128xf32>
    %dot_general3A_8 = tpu.matmul %get3A_7, %concatenate3A, %dot_general3A {dimension_numbers = #tpu.dot_dimension_numbers<[0], [1], [1], [0], [0, 1, 1, 0], [], []>, transpose_lhs_hint = false} : vector<64x16384xf32>, vector<128x64xf32>, vector<16384x128xf32> -> vector<16384x128xf32>
    %swap3A = arith.constant 0 : index
    %swap3A_9 = arith.constant 0 : index
    %swap3A_10 = vector.load %arg3[%swap3A, %swap3A_9] : memref<16384x128xf32, #tpu.memory_space<vmem>>, vector<16384x128xf32>
    tpu.vector_store %arg3[%swap3A, %swap3A_9], %dot_general3A_8 {strides = array<i32>} : memref<16384x128xf32, #tpu.memory_space<vmem>>, vector<16384x128xf32>,
    return
  }
  func.func @transform_0(%arg0: i32) -> (i32, i32) {
    %c0_i32 = arith.constant 0 : i32
    %c0_i32_0 = arith.constant 0 : i32
    return %c0_i32, %arg0 : i32, i32
  }
  func.func @transform_1(%arg0: i32) -> (i32, i32) {
    %c0_i32 = arith.constant 0 : i32
    %c0_i32_0 = arith.constant 0 : i32
    %c0_i32_1 = arith.constant 0 : i32
    return %c0_i32, %c0_i32_0 : i32, i32
  }
  func.func @transform_2(%arg0: i32) -> (i32, i32) {
    %c0_i32 = arith.constant 0 : i32
    %c0_i32_0 = arith.constant 0 : i32
    return %arg0, %c0_i32 : i32, i32
  }
}

</mosaic_0001>

<sc_bundles>
// kernel: kernel.4.cloned.1.call-start
scs
__scs_entry_jumppad:
0x0: {  	(pc) =	sbr.rel $0x88, $3  }
0x1: {  	(tag) =	ssettag $0x0;
	lr =	simm.s32 $0x1  }
0x2: {  	[smem:$0x3F9D] =	sst lr;
	_ =	strace $0xD0000000  }
0x3: {  	_ = 	snop  }
0x4: {  	_ = 	snop  }
0x5: {  	_ = 	snop  }
0x6: {  	_ = 	snop  }
0x7: {  	_ = 	snop  }
__scs_overlays_trampoline_lowered:
0x8: {  	[smem:$0x3FAC] =	sst s0  }
0x9: {  	[smem:$0x3FAD] =	sst s1  }
0xa: {  	[smem:$0x3FAE] =	sst s2  }
0xb: {  	[smem:$0x3FAF] =	sst s3  }
0xc: {  	[smem:$0x3FB0] =	sst s4  }
0xd: {  	[smem:$0x3FB1] =	sst s5  }
0xe: {  	[smem:$0x3FB2] =	sst s6  }
0xf: {  	[smem:$0x3FB3] =	sst s7  }
0x10: {  	[smem:$0x3FB4] =	sst s8  }
0x11: {  	[smem:$0x3FB5] =	sst s9;
	s0 =	simm.s32 @!p0 $0x0  }
0x12: {  	s1 =	sld [smem:$0x3F9B];
	s0 =	simm.s32 @p0 $0x1  }
0x13: {  	[smem:$0x3FB6] =	sst s0;
	s0 =	simm.s32 @!p1 $0x0  }
0x14: {  	s2 =	sld [smem:$0x3F9A];
	s0 =	simm.s32 @p1 $0x1  }
0x15: {  	[smem:$0x3FB7] =	sst s0;
	s0 =	simm.s32 @!p2 $0x0  }
0x16: {  	s3 =	sld [smem:$0x3FDB];
	s0 =	simm.s32 @p2 $0x1  }
0x17: {  	s4 =	simm.s32 $0x1BF5;
	[smem:$0x3FB9] =	sst s0  }
0x18: {  	s0 =	sld [smem:$0x3F9C];
	_ =	swait.ge [sflag:s4], $0x0  }
0x19: {  	s7 =	sld [smem:$0x3F9D]  }
0x1a: {  	s8 =	sadd.s32 $0xFFFFE003, lr  }
0x1b: {  	s9 =	sadd.s32 $0xFFFFFEF7, lr;
	s5 =	simm.s32 $0xFFFFFFFF;
	p2 =	slt.u32 s8, $0xFFFFF086  }
0x1c: {  	p1 =	slt.u32 s9, $0xF7A;
	s5 =	simm.s32 @!p2 $0x0  }
0x1d: {  	s5 =	simm.s32 @p1 $0x1;
	p0 =	seq.s32 s7, s2  }
0x1e: {  	s7 =	smul.u32 @!p0 $0xF7A, s2;
	p2 =	seq.s32 @!p0 s5, $0x0  }
0x1f: {  	s9 =	smul.u32 $0xF7A, s1;
	s8 =	simm.s32 @!p0 $0x1BF5;
	p2 =	por !p2, p0  }
0x20: {  	[sflag:s8] =	ssyncset.s32 @!p0 $0xFFFFF086;
	s6 =	sadd.s32 @!p0 s3, s7;
	s7 =	simm.s32 @!p0 $0x108  }
0x21: {  	s3 =	sadd.s32 s3, s9;
	s6 =	sadd.s32 @!p0 $0x88, s6;
	s7 =	simm.s32 @p2 $0x1082  }
0x22: {  	[simem:s7], [sflag:s8] =	dma.local @!p0 [hbm:s6], $0xF7A  }
0x23: {  	s9 =	sor.u32 $0xD0000000, s2;
	s6 =	simm.s32 $0x108;
	_ =	swait.ge @!p0 [sflag:s8], $0x0  }
0x24: {  	s3 =	sadd.s32 $0x88, s3;
	s6 =	simm.s32 @!p1 $0x1082;
	[sflag:s4] =	ssyncset.s32 $0xFFFFF086  }
0x25: {  	[simem:s6], [sflag:s4] =	dma.local [hbm:s3], $0xF7A  }
0x26: {  	[smem:$0x3F9D] =	sst s1;
	(tag) =	ssettag s2;
	_ =	strace s9  }
0x27: {  	s1 =	sld [smem:$0x3FAD]  }
0x28: {  	s2 =	sld [smem:$0x3FAE]  }
0x29: {  	s4 =	sld [smem:$0x3FB0]  }
0x2a: {  	p0 =	seq.s32 s5, $0x0;
	s5 =	sld [smem:$0x3FB1]  }
0x2b: {  	s6 =	sld [smem:$0x3FB2]  }
0x2c: {  	s7 =	sld [smem:$0x3FB3]  }
0x2d: {  	s3 =	simm.s32 $0x108;
	s8 =	sld [smem:$0x3FB4]  }
0x2e: {  	s3 =	simm.s32 @!p0 $0x1082;
	s9 =	sld [smem:$0x3FB5]  }
0x2f: {  	lr =	sadd.s32 s0, s3;
	s0 =	sld [smem:$0x3FAC]  }
0x30: {  	s3 =	sld [smem:$0x3FAF]  }
0x31: {  	[smem:$0x3FB8] =	sst s10  }
0x32: {  	s10 =	sld [smem:$0x3FB6];
	_ =	sdelay $0x3  }
0x33: {  	p0 =	seq.s32 s10, $0x1;
	s10 =	sld [smem:$0x3FB8];
	_ =	sdelay $0x3  }
0x34: {  	[smem:$0x3FB8] =	sst s10  }
0x35: {  	s10 =	sld [smem:$0x3FB7];
	_ =	sdelay $0x3  }
0x36: {  	p1 =	seq.s32 s10, $0x1;
	s10 =	sld [smem:$0x3FB8];
	_ =	sdelay $0x3  }
0x37: {  	[smem:$0x3FB8] =	sst s10  }
0x38: {  	s10 =	sld [smem:$0x3FB9]  }
0x39: {  	_ = 	snop;
	(pc) =	sbr.ind lr, $3  }
0x3a: {  	_ = 	snop  }
0x3b: {  	_ = 	snop  }
0x3c: {  	p2 =	seq.s32 s10, $0x1;
	s10 =	sld [smem:$0x3FB8]  }
0x3d: {  	_ =	shalt  }
0x3e: {  	_ =	shalt  }
0x3f: {  	_ =	shalt  }
0x40: {  	_ =	shalt  }
0x41: {  	_ =	shalt  }
0x42: {  	_ =	shalt  }
0x43: {  	_ =	shalt  }
0x44: {  	_ =	shalt  }
0x45: {  	_ =	shalt  }
0x46: {  	_ =	shalt  }
0x47: {  	_ =	shalt  }
0x48: {  	_ =	shalt  }
0x49: {  	_ =	shalt  }
0x4a: {  	_ =	shalt  }
0x4b: {  	_ =	shalt  }
0x4c: {  	_ =	shalt  }
0x4d: {  	_ =	shalt  }
0x4e: {  	_ =	shalt  }
0x4f: {  	_ =	shalt  }
0x50: {  	_ =	shalt  }
0x51: {  	_ =	shalt  }
0x52: {  	_ =	shalt  }
0x53: {  	_ =	shalt  }
0x54: {  	_ =	shalt  }
0x55: {  	_ =	shalt  }
0x56: {  	_ =	shalt  }
0x57: {  	_ =	shalt  }
0x58: {  	_ =	shalt  }
0x59: {  	_ =	shalt  }
0x5a: {  	_ =	shalt  }
0x5b: {  	_ =	shalt  }
0x5c: {  	_ =	shalt  }
0x5d: {  	_ =	shalt  }
0x5e: {  	_ =	shalt  }
0x5f: {  	_ =	shalt  }
0x60: {  	_ =	shalt  }
0x61: {  	_ =	shalt  }
0x62: {  	_ =	shalt  }
0x63: {  	_ =	shalt  }
0x64: {  	_ =	shalt  }
0x65: {  	_ =	shalt  }
0x66: {  	_ =	shalt  }
0x67: {  	_ =	shalt  }
0x68: {  	_ =	shalt  }
0x69: {  	_ =	shalt  }
0x6a: {  	_ =	shalt  }
0x6b: {  	_ =	shalt  }
0x6c: {  	_ =	shalt  }
0x6d: {  	_ =	shalt  }
0x6e: {  	_ =	shalt  }
0x6f: {  	_ =	shalt  }
0x70: {  	_ =	shalt  }
0x71: {  	_ =	shalt  }
0x72: {  	_ =	shalt  }
0x73: {  	_ =	shalt  }
0x74: {  	_ =	shalt  }
0x75: {  	_ =	shalt  }
0x76: {  	_ =	shalt  }
0x77: {  	_ =	shalt  }
0x78: {  	_ =	shalt  }
0x79: {  	_ =	shalt  }
0x7a: {  	_ =	shalt  }
0x7b: {  	_ =	shalt  }
0x7c: {  	_ =	shalt  }
0x7d: {  	_ =	shalt  }
0x7e: {  	_ =	shalt  }
0x7f: {  	_ =	shalt  }
0x80: {  	_ =	shalt  }
0x81: {  	_ =	shalt  }
0x82: {  	_ =	shalt  }
0x83: {  	_ =	shalt  }
0x84: {  	_ =	shalt  }
0x85: {  	_ =	shalt  }
0x86: {  	_ =	shalt  }
0x87: {  	_ =	shalt  }
.Lfunc_end0:
.L_simem_size_0:
called_computation_lowered:
.L_overlay_start_0:
0x88: {  	s2 =	sld [smem:$0x3FD9]  }
0x89: {  	s3 =	sld [smem:$0x3FFE];
	_ =	sdelay $0x1  }
0x8a: {  	s1 =	srdreg.scid  }
0x8b: {  	s0 =	sand.u32 $0x1, s1  }
0x8c: {  	s17 =	sshll.u32 s0, $0xA;
	s2 =	sadd.s32 s3, s2  }
0x8d: {  	s2 =	sadd.s32 s2, s17  }
0x8e: {  	[smem:$0x3FC4] =	sst s2  }
0x8f: {  	_ = 	snop  }
0x90: {  	s2 =	sld [smem:$0x3FC6]  }
0x91: {  	s18 =	sld [smem:$0x3FD0];
	(tm) =	ssettm $0x1  }
0x92: {  	s4 =	sld [smem:$0x3FFB];
	_ =	sdelay $0x3  }
0x93: {  	_ =	strace s4  }
0x94: {  	s4 =	sld [smem:$0x3FFC];
	_ =	sdelay $0x3  }
0x95: {  	_ =	strace s4  }
0x96: {  	s4 =	sld [smem:$0x3FFD];
	_ =	sdelay $0x3  }
0x97: {  	_ =	strace s4  }
0x98: {  	_ =	strace $0x8FFFFFFF  }
0x99: {  	s19 =	sld [smem:$0x3FDB];
	_ =	sdelay $0x1  }
0x9a: {  	s5 =	simm.s32 $_scs_section_size  }
0x9b: {  	s6 =	simm.s32 $_size__tile_overlayer_lowered;
	s7 =	simm.s32 $_tile_overlayer_lowered  }
0x9c: {  	s22 =	simm.s32 $0x1BFF;
	s21 =	sshll.u32 s7, $0x1;
	s4 =	sadd.s32 s5, s19  }
0x9d: {  	s8 =	simm.s32 $0x0;
	s20 =	sshll.u32 s6, $0x1;
	s6 =	sadd.s32 s21, s4  }
0x9e: {  	[timem:s8], [sflag:s22] =	dma.local [hbm:s6], s20  }
0x9f: {  	_ =	swait.ge [sflag:s22], s20  }
0xa0: {  	s5 =	ssub.s32 $0x0, s20;
	[sflag:s22] =	ssyncset.done $0x0  }
0xa1: {  	[sflag:s22] =	ssyncadd.s32 s5;
	_ =	sdelay $0x1  }
0xa2: {  	s23 =	simm.s32 $0x1B8B  }
0xa3: {  	_ =	swait.ge [sflag:s23], $0x1  }
0xa4: {  	[sflag:s23] =	ssyncset.done $0x0  }
0xa5: {  	s25 =	simm.s32 $0x1B8E;
	s24 =	sld [smem:$0x3FFE];
	[sflag:s23] =	ssyncadd.s32 $0xFFFFFFFF  }
0xa6: {  	s26 =	simm.s32 $execute0_lowered;
	[smem:$0x3FD2] =	sst s25  }
0xa7: {  	s6 =	sshll.u32 s26, $0x1;
	_ =	strace $0x80000046;
	[dreg:$0x1] =	wrdreg $0xFFFFFFFF  }
0xa8: {  	s28 =	simm.s32 $_size_execute0_lowered;
	s4 =	sadd.s32 s4, s6;
	[dreg:$0x0] =	wrdreg $0x0  }
0xa9: {  	s6 =	sshll.u32 s28, $0x1;
	[dreg:$0x2] =	wrdreg s4  }
0xaa: {  	[dreg:$0x3] =	wrdreg s6  }
0xab: {  	[dreg:$0x4] =	wrdreg $0xC0  }
0xac: {  	_ =	task [dreg:s8], $0x5FFFF  }
0xad: {  	[dreg:$0x1] =	wrdreg $0xFFFFFFFF  }
0xae: {  	[dreg:$0x0] =	wrdreg $0x60  }
0xaf: {  	[dreg:$0x2] =	wrdreg s24  }
0xb0: {  	[dreg:$0x3] =	wrdreg s2  }
0xb1: {  	[dreg:$0x4] =	wrdreg s18  }
0xb2: {  	[dreg:$0x5] =	wrdreg $0x9  }
0xb3: {  	_ =	task.clear_ibuf [dreg:s8], $0x6FFFF;
	_ =	strace $0x90000046  }
0xb4: {  	s29 =	simm.s32 $0x9;
	_ =	strace $0x80000048  }
0xb5: {  	_ =	swait.ge [sflag:s29], $0x1  }
0xb6: {  	[sflag:s29] =	ssyncadd.s32 $0xFFFFFFFF  }
0xb7: {  	_ =	strace $0x90000048  }
0xb8: {  	_ =	sfence  }
0xb9: {  	s30 =	sld [smem:$0x0];
	_ =	sdelay $0x2  }
0xba: {  	s31 =	sshll.u32 s1, $0xD;
	s1 =	sshrl.u32 s1, $0x2  }
0xbb: {  	s3 =	sand.u32 $0x4000, s31;
	s1 =	sadd.s32 s1, s30  }
0xbc: {  	s0 =	sor.u32 s3, s0;
	s1 =	sshll.u32 s1, $0x11  }
0xbd: {  	s0 =	sor.u32 s1, s0  }
0xbe: {  	s0 =	sadd.s32 $0x8F2B, s0  }
0xbf: {  	[sflag:s0] =	ssyncadd.remote.s32 $0x1  }
0xc0: {  	_ =	sfence.sel $0xFFFF  }
0xc1: {  	[dreg:$0x0] =	wrdreg $0xFFFFFFFF;
	(pc) =	sbr.abs _section_cstart, $3  }
0xc2: {  	[dreg:$0x1] =	wrdreg $0xFFFFFFFF  }
0xc3: {  	_ =	task.clear_ibuf [dreg:s8], $0x2FFFF;
	_ =	strace $0x9FFFFFFF  }
0xc4: {  	(tm) =	ssettm $0x7FFFFFFF  }
0xc5: {  	_ =	shalt  }
tec
execute0_lowered:
.L_overlay_start_1:
0x0: {  	(tag) =	ssettag $0x1  }
0x1: {  	s0 =	srdreg.scid;
	s1 =	rddreg [dreg:$0x0]  }
0x2: {  	s2 =	stileid.u32;
	s6 =	rddreg [dreg:$0x2];
	s8 =	simm.s32 $0x5  }
0x3: {  	s10 =	simm.s32 $0x64;
	s14 =	simm.s32 $0xD0;
	s15 =	simm.s32 $0x7480  }
0x4: {  	s16 =	simm.s32 $0x138;
	s17 =	simm.s32 $0x7AC0;
	s18 =	simm.s32 $0x1A0  }
0x5: {  	s19 =	simm.s32 $0x8100;
	s20 =	simm.s32 $0x208;
	s21 =	simm.s32 $0x8740  }
0x6: {  	s22 =	simm.s32 $0x270;
	s23 =	simm.s32 $0x8D80;
	s24 =	simm.s32 $0x2D8  }
0x7: {  	s25 =	simm.s32 $0x93C0;
	s28 =	simm.s32 $0x2;
	s29 =	simm.s32 $0x3  }
0x8: {  	s30 =	simm.s32 $0x4;
	s31 =	simm.s32 $0x9A00;
	s0 =	sand.u32 $0x1, s0  }
0x9: {  	s2 =	sshll.u32 s2, $0x8;
	s3 =	sshll.u32 s0, $0x7;
	s0 =	ssub.s32 $0x2, s0  }
0xa: {  	s2 =	sor.u32 s3, s2;
	s3 =	simm.s32 $0x0;
	s7 =	sshrl.u32 s0, $0x1  }
0xb: {  	s4 =	smul.u32 $0x1A, s2;
	[smem:$0x7FF] =	sst s3;
	s26 =	sshll.u32 s2, $0x1  }
0xc: {  	s0 =	ssub.s32 s0, s7;
	_ =	strace $0x80000047;
	s6 =	sadd.s32 s6, s26  }
0xd: {  	s7 =	smax.u32 s0, $0x1;
	s26 =	simm.s32 $0x1;
	s5 =	sadd.s32 s4, s1  }
0xe: {  	s4 =	sadd.s32 $0x1A600, s1;
	s1 =	simm.s32 $0x0;
	s5 =	sadd.s32 $0x600, s5  }
.LBB2_1:
0xf: {  	[tilespmem:s3], [sflag:$0x5] =	stream.linear.gather [hbm4b:s5+s3], $0x6800, $0x38;
	[tilespmem:$0xA210] =	vst v63  }
0x10: {  	_ =	swait.ge [sflag:s8], $0x6800  }
0x11: {  	[sflag:s8] =	ssyncset.done $0x0  }
0x12: {  	[sflag:s8] =	ssyncadd.s32 $0xFFFF9800  }
0x13: {  	s2 =	simm.s32 $0xA200;
	s0 =	rddreg [dreg:$0x1]  }
0x14: {  	[tilespmem:s2], [sflag:$0x5] =	stream.linear.gather [hbm4b:s0+s3], $0x10, $0x38;
	[tilespmem:$0xA210] =	vst v63  }
0x15: {  	_ =	swait.ge [sflag:s8], $0x10  }
0x16: {  	[sflag:s8] =	ssyncset.done $0x0  }
0x17: {  	s11 =	simm.s32 $0x6800;
	[sflag:s8] =	ssyncadd.s32 $0xFFFFFFF0  }
0x18: {  	v0 =	vld [tilespmem:$0xA200];
	[tilespmem:s11], [sflag:$0x1] =	stream.indirect.gather [hbm4b:s4+s10], $0x10, s3, s10, $0xb8  }
0x19: {  	s12 =	simm.s32 $0x68;
	s13 =	simm.s32 $0x6E40  }
0x1a: {  	[tilespmem:s13], [sflag:$0x1] =	stream.indirect.gather [hbm4b:s4+s10], $0x10, s12, s10, $0xb8;
	[tilespmem:$0xA210] =	vst v63  }
0x1b: {  	_ = 	snop  }
0x1c: {  	[tilespmem:s15], [sflag:$0x2] =	stream.indirect.gather [hbm4b:s4+s10], $0x10, s14, s10, $0xb8;
	[tilespmem:$0xA210] =	vst v63  }
0x1d: {  	_ = 	snop  }
0x1e: {  	[tilespmem:s17], [sflag:$0x2] =	stream.indirect.gather [hbm4b:s4+s10], $0x10, s16, s10, $0xb8;
	[tilespmem:$0xA210] =	vst v63  }
0x1f: {  	_ = 	snop  }
0x20: {  	[tilespmem:s19], [sflag:$0x3] =	stream.indirect.gather [hbm4b:s4+s10], $0x10, s18, s10, $0xb8;
	[tilespmem:$0xA210] =	vst v63  }
0x21: {  	_ = 	snop  }
0x22: {  	[tilespmem:s21], [sflag:$0x3] =	stream.indirect.gather [hbm4b:s4+s10], $0x10, s20, s10, $0xb8;
	[tilespmem:$0xA210] =	vst v63  }
0x23: {  	_ = 	snop  }
0x24: {  	[tilespmem:s23], [sflag:$0x4] =	stream.indirect.gather [hbm4b:s4+s10], $0x10, s22, s10, $0xb8;
	[tilespmem:$0xA210] =	vst v63  }
0x25: {  	s0 =	simm.s32 $0x0  }
0x26: {  	[tilespmem:s25], [sflag:$0x4] =	stream.indirect.gather [hbm4b:s4+s10], $0x10, s24, s10, $0xb8;
	[tilespmem:$0xA210] =	vst v63  }
.LBB2_2:
0x27: {  	_ =	swait.ge [sflag:s26], $0x640  }
0x28: {  	p0 =	seq.s32 s0, $0x1F;
	[sflag:s26] =	ssyncset.done $0x0  }
0x29: {  	s2 =	smul.u32 @!p0 $0xD00, s0;
	[sflag:s26] =	ssyncadd.s32 $0xFFFFF9C0  }
0x2a: {  	_ =	swait.ge [sflag:s26], $0x640  }
0x2b: {  	s11 =	simm.s32 @!p0 $0x64;
	s2 =	sshra.s32 @!p0 s2, $0x2;
	[sflag:s26] =	ssyncset.done $0x0  }
0x2c: {  	s12 =	simm.s32 @!p0 $0x6800;
	s9 =	sadd.s32 @!p0 $0x340, s2;
	[sflag:s26] =	ssyncadd.s32 $0xFFFFF9C0  }
0x2d: {  	[tilespmem:s12], [sflag:$0x1] =	stream.indirect.gather @!p0 [hbm4b:s4+s11], $0x10, s9, s11, $0xb8;
	[tilespmem:$0xA210] =	vst v63  }
0x2e: {  	s13 =	simm.s32 $0x20;
	s9 =	sadd.s32 @!p0 $0x3A8, s2;
	s12 =	simm.s32 @!p0 $0x6E40  }
0x2f: {  	[tilespmem:s12], [sflag:$0x1] =	stream.indirect.gather @!p0 [hbm4b:s4+s11], $0x10, s9, s11, $0xb8;
	[tilespmem:$0xA210] =	vst v63  }
0x30: {  	v1 =	vld [tilespmem:s13+$0x67E0];
	_ =	sdelay $0x1  }
0x31: {  	v2 =	vld [tilespmem:s13+$0x6E20];
	_ =	sdelay $0x1  }
0x32: {  	v3 =	vld [tilespmem:s13+$0x67F0]  }
0x33: {  	v1 =	vadd.f32 v1, v0  }
0x34: {  	v4 =	vld [tilespmem:s13+$0x6E30]  }
0x35: {  	v1 =	vadd.f32 v2, v1  }
0x36: {  	v2 =	vld [tilespmem:s13+$0x6800]  }
0x37: {  	v1 =	vadd.f32 v3, v1;
	_ =	sdelay $0x1  }
0x38: {  	v3 =	vld [tilespmem:s13+$0x6E40];
	v1 =	vadd.f32 v4, v1;
	_ =	sdelay $0x1  }
0x39: {  	v4 =	vadd.f32 v2, v1;
	v2 =	vld [tilespmem:s13+$0x6810];
	_ =	sdelay $0x1  }
0x3a: {  	v1 =	vld [tilespmem:s13+$0x6E50]  }
0x3b: {  	s9 =	simm.s32 $0x60;
	s11 =	simm.s32 $0x280;
	v3 =	vadd.f32 v3, v4  }
.LBB2_3:
0x3c: {  	p1 =	sne.s32 s11, $0x1880;
	v4 =	vld [tilespmem:s9+$0x67E0]  }
0x3d: {  	v2 =	vadd.f32 v2, v3  }
0x3e: {  	v3 =	vld [tilespmem:s9+$0x6E20]  }
0x3f: {  	v1 =	vadd.f32 v1, v2  }
0x40: {  	v2 =	vld [tilespmem:s9+$0x67F0]  }
0x41: {  	v1 =	vadd.f32 v4, v1  }
0x42: {  	v4 =	vld [tilespmem:s9+$0x6E30]  }
0x43: {  	v1 =	vadd.f32 v3, v1  }
0x44: {  	v3 =	vld [tilespmem:s9+$0x6800]  }
0x45: {  	v1 =	vadd.f32 v2, v1  }
0x46: {  	v5 =	vld [tilespmem:s9+$0x6E40]  }
.Ltmp0:
0x47: {  	v1 =	vadd.f32 v4, v1;
	(pc) =	sbr.rel @p1 .LBB2_3-.Ltmp0, $4  }
0x48: {  	v2 =	vld [tilespmem:s9+$0x6810]  }
0x49: {  	v3 =	vadd.f32 v3, v1  }
0x4a: {  	v1 =	vld [tilespmem:s9+$0x6E50]  }
0x4b: {  	s9 =	sshra.s32 s11, $0x2;
	s11 =	sadd.s32 $0x100, s11;
	v3 =	vadd.f32 v5, v3  }
0x4c: {  	v4 =	vld [tilespmem:s9+$0x67E0]  }
0x4d: {  	v2 =	vadd.f32 v2, v3  }
0x4e: {  	v3 =	vld [tilespmem:s9+$0x6E20]  }
0x4f: {  	v1 =	vadd.f32 v1, v2  }
0x50: {  	v2 =	vld [tilespmem:s9+$0x67F0]  }
0x51: {  	v1 =	vadd.f32 v4, v1  }
0x52: {  	v4 =	vld [tilespmem:s9+$0x6E30]  }
0x53: {  	v1 =	vadd.f32 v3, v1  }
0x54: {  	v3 =	vld [tilespmem:s9+$0x6800]  }
0x55: {  	v1 =	vadd.f32 v2, v1  }
0x56: {  	v2 =	vld [tilespmem:s9+$0x6E40]  }
0x57: {  	v1 =	vadd.f32 v4, v1  }
0x58: {  	v4 =	vld [tilespmem:s9+$0x6810]  }
0x59: {  	v1 =	vadd.f32 v3, v1  }
0x5a: {  	v3 =	vld [tilespmem:s9+$0x6E50]  }
0x5b: {  	v1 =	vadd.f32 v2, v1;
	_ =	sdelay $0x1  }
0x5c: {  	v1 =	vadd.f32 v4, v1;
	_ =	sdelay $0x1  }
0x5d: {  	s12 =	sshll.u32 s0, $0x6;
	v1 =	vadd.f32 v3, v1  }
0x5e: {  	s9 =	sand.u32 $0x3FFFFFC0, s12  }
0x5f: {  	[tilespmem:s9+$0x9A00] =	vst v1  }
0x60: {  	_ =	swait.ge [sflag:s28], $0x640  }
0x61: {  	[sflag:s28] =	ssyncset.done $0x0  }
0x62: {  	[sflag:s28] =	ssyncadd.s32 $0xFFFFF9C0  }
0x63: {  	_ =	swait.ge [sflag:s28], $0x640  }
0x64: {  	s11 =	sadd.s32 @!p0 $0x410, s2;
	[sflag:s28] =	ssyncset.done $0x0  }
0x65: {  	s13 =	simm.s32 @!p0 $0x7480;
	s12 =	simm.s32 @!p0 $0x64;
	[sflag:s28] =	ssyncadd.s32 $0xFFFFF9C0  }
0x66: {  	[tilespmem:s13], [sflag:$0x2] =	stream.indirect.gather @!p0 [hbm4b:s4+s12], $0x10, s11, s12, $0xb8;
	[tilespmem:$0xA210] =	vst v63  }
0x67: {  	s11 =	sadd.s32 @!p0 $0x478, s2;
	s13 =	simm.s32 @!p0 $0x7AC0  }
0x68: {  	[tilespmem:s13], [sflag:$0x2] =	stream.indirect.gather @!p0 [hbm4b:s4+s12], $0x10, s11, s12, $0xb8;
	[tilespmem:$0xA210] =	vst v63  }
0x69: {  	s13 =	simm.s32 $0xFFFFF9C0  }
0x6a: {  	v1 =	vld [tilespmem:s13+$0x7AC0];
	_ =	sdelay $0x1  }
0x6b: {  	v2 =	vld [tilespmem:s13+$0x8100];
	_ =	sdelay $0x1  }
0x6c: {  	v3 =	vld [tilespmem:s13+$0x7AD0]  }
0x6d: {  	v1 =	vadd.f32 v1, v0  }
0x6e: {  	v4 =	vld [tilespmem:s13+$0x8110]  }
0x6f: {  	v1 =	vadd.f32 v2, v1  }
0x70: {  	v2 =	vld [tilespmem:s13+$0x7AE0]  }
0x71: {  	v1 =	vadd.f32 v3, v1;
	_ =	sdelay $0x1  }
0x72: {  	v3 =	vld [tilespmem:s13+$0x8120];
	v1 =	vadd.f32 v4, v1;
	_ =	sdelay $0x1  }
0x73: {  	v4 =	vadd.f32 v2, v1;
	v2 =	vld [tilespmem:s13+$0x7AF0];
	_ =	sdelay $0x1  }
0x74: {  	v1 =	vld [tilespmem:s13+$0x8130]  }
0x75: {  	s11 =	simm.s32 $0xFFFFFA00;
	s12 =	simm.s32 $0xFFFFE900;
	v3 =	vadd.f32 v3, v4  }
.LBB2_5:
0x76: {  	p1 =	sne.s32 s12, $0xFFFFFF00;
	v4 =	vld [tilespmem:s11+$0x7AC0]  }
0x77: {  	v2 =	vadd.f32 v2, v3  }
0x78: {  	v3 =	vld [tilespmem:s11+$0x8100]  }
0x79: {  	v1 =	vadd.f32 v1, v2  }
0x7a: {  	v2 =	vld [tilespmem:s11+$0x7AD0]  }
0x7b: {  	v1 =	vadd.f32 v4, v1  }
0x7c: {  	v4 =	vld [tilespmem:s11+$0x8110]  }
0x7d: {  	v1 =	vadd.f32 v3, v1  }
0x7e: {  	v3 =	vld [tilespmem:s11+$0x7AE0]  }
0x7f: {  	v1 =	vadd.f32 v2, v1  }
0x80: {  	v5 =	vld [tilespmem:s11+$0x8120]  }
.Ltmp1:
0x81: {  	v1 =	vadd.f32 v4, v1;
	(pc) =	sbr.rel @p1 .LBB2_5-.Ltmp1, $4  }
0x82: {  	v2 =	vld [tilespmem:s11+$0x7AF0]  }
0x83: {  	v3 =	vadd.f32 v3, v1  }
0x84: {  	v1 =	vld [tilespmem:s11+$0x8130]  }
0x85: {  	s11 =	sshra.s32 s12, $0x2;
	s12 =	sadd.s32 $0x100, s12;
	v3 =	vadd.f32 v5, v3  }
0x86: {  	v4 =	vld [tilespmem:s11+$0x7AC0]  }
0x87: {  	v2 =	vadd.f32 v2, v3  }
0x88: {  	v3 =	vld [tilespmem:s11+$0x8100]  }
0x89: {  	v1 =	vadd.f32 v1, v2  }
0x8a: {  	v2 =	vld [tilespmem:s11+$0x7AD0]  }
0x8b: {  	v1 =	vadd.f32 v4, v1  }
0x8c: {  	v4 =	vld [tilespmem:s11+$0x8110]  }
0x8d: {  	v1 =	vadd.f32 v3, v1  }
0x8e: {  	v3 =	vld [tilespmem:s11+$0x7AE0]  }
0x8f: {  	v1 =	vadd.f32 v2, v1  }
0x90: {  	v2 =	vld [tilespmem:s11+$0x8120]  }
0x91: {  	v1 =	vadd.f32 v4, v1  }
0x92: {  	v4 =	vld [tilespmem:s11+$0x7AF0]  }
0x93: {  	v1 =	vadd.f32 v3, v1  }
0x94: {  	v3 =	vld [tilespmem:s11+$0x8130]  }
0x95: {  	v1 =	vadd.f32 v2, v1;
	_ =	sdelay $0x1  }
0x96: {  	v1 =	vadd.f32 v4, v1;
	_ =	sdelay $0x1  }
0x97: {  	v1 =	vadd.f32 v3, v1;
	_ =	sdelay $0x1  }
0x98: {  	[tilespmem:s9+$0x9A10] =	vst v1  }
0x99: {  	_ =	swait.ge [sflag:s29], $0x640  }
0x9a: {  	[sflag:s29] =	ssyncset.done $0x0  }
0x9b: {  	[sflag:s29] =	ssyncadd.s32 $0xFFFFF9C0  }
0x9c: {  	_ =	swait.ge [sflag:s29], $0x640  }
0x9d: {  	s12 =	simm.s32 @!p0 $0x64;
	[sflag:s29] =	ssyncset.done $0x0  }
0x9e: {  	s13 =	simm.s32 @!p0 $0x8100;
	s11 =	sadd.s32 @!p0 $0x4E0, s2;
	[sflag:s29] =	ssyncadd.s32 $0xFFFFF9C0  }
0x9f: {  	[tilespmem:s13], [sflag:$0x3] =	stream.indirect.gather @!p0 [hbm4b:s4+s12], $0x10, s11, s12, $0xb8;
	[tilespmem:$0xA210] =	vst v63  }
0xa0: {  	s11 =	sadd.s32 @!p0 $0x548, s2;
	s13 =	simm.s32 @!p0 $0x8740  }
0xa1: {  	[tilespmem:s13], [sflag:$0x3] =	stream.indirect.gather @!p0 [hbm4b:s4+s12], $0x10, s11, s12, $0xb8;
	[tilespmem:$0xA210] =	vst v63  }
0xa2: {  	s13 =	simm.s32 $0xFFFFF9C0  }
0xa3: {  	v1 =	vld [tilespmem:s13+$0x8740];
	_ =	sdelay $0x1  }
0xa4: {  	v2 =	vld [tilespmem:s13+$0x8D80];
	_ =	sdelay $0x1  }
0xa5: {  	v3 =	vld [tilespmem:s13+$0x8750]  }
0xa6: {  	v1 =	vadd.f32 v1, v0  }
0xa7: {  	v4 =	vld [tilespmem:s13+$0x8D90]  }
0xa8: {  	v1 =	vadd.f32 v2, v1  }
0xa9: {  	v2 =	vld [tilespmem:s13+$0x8760]  }
0xaa: {  	v1 =	vadd.f32 v3, v1;
	_ =	sdelay $0x1  }
0xab: {  	v3 =	vld [tilespmem:s13+$0x8DA0];
	v1 =	vadd.f32 v4, v1;
	_ =	sdelay $0x1  }
0xac: {  	v4 =	vadd.f32 v2, v1;
	v2 =	vld [tilespmem:s13+$0x8770];
	_ =	sdelay $0x1  }
0xad: {  	v1 =	vld [tilespmem:s13+$0x8DB0]  }
0xae: {  	s11 =	simm.s32 $0xFFFFFA00;
	s12 =	simm.s32 $0xFFFFE900;
	v3 =	vadd.f32 v3, v4  }
.LBB2_7:
0xaf: {  	p1 =	sne.s32 s12, $0xFFFFFF00;
	v4 =	vld [tilespmem:s11+$0x8740]  }
0xb0: {  	v2 =	vadd.f32 v2, v3  }
0xb1: {  	v3 =	vld [tilespmem:s11+$0x8D80]  }
0xb2: {  	v1 =	vadd.f32 v1, v2  }
0xb3: {  	v2 =	vld [tilespmem:s11+$0x8750]  }
0xb4: {  	v1 =	vadd.f32 v4, v1  }
0xb5: {  	v4 =	vld [tilespmem:s11+$0x8D90]  }
0xb6: {  	v1 =	vadd.f32 v3, v1  }
0xb7: {  	v3 =	vld [tilespmem:s11+$0x8760]  }
0xb8: {  	v1 =	vadd.f32 v2, v1  }
0xb9: {  	v5 =	vld [tilespmem:s11+$0x8DA0]  }
.Ltmp2:
0xba: {  	v1 =	vadd.f32 v4, v1;
	(pc) =	sbr.rel @p1 .LBB2_7-.Ltmp2, $4  }
0xbb: {  	v2 =	vld [tilespmem:s11+$0x8770]  }
0xbc: {  	v3 =	vadd.f32 v3, v1  }
0xbd: {  	v1 =	vld [tilespmem:s11+$0x8DB0]  }
0xbe: {  	s11 =	sshra.s32 s12, $0x2;
	s12 =	sadd.s32 $0x100, s12;
	v3 =	vadd.f32 v5, v3  }
0xbf: {  	v4 =	vld [tilespmem:s11+$0x8740]  }
0xc0: {  	v2 =	vadd.f32 v2, v3  }
0xc1: {  	v3 =	vld [tilespmem:s11+$0x8D80]  }
0xc2: {  	v1 =	vadd.f32 v1, v2  }
0xc3: {  	v2 =	vld [tilespmem:s11+$0x8750]  }
0xc4: {  	v1 =	vadd.f32 v4, v1  }
0xc5: {  	v4 =	vld [tilespmem:s11+$0x8D90]  }
0xc6: {  	v1 =	vadd.f32 v3, v1  }
0xc7: {  	v3 =	vld [tilespmem:s11+$0x8760]  }
0xc8: {  	v1 =	vadd.f32 v2, v1  }
0xc9: {  	v2 =	vld [tilespmem:s11+$0x8DA0]  }
0xca: {  	v1 =	vadd.f32 v4, v1  }
0xcb: {  	v4 =	vld [tilespmem:s11+$0x8770]  }
0xcc: {  	v1 =	vadd.f32 v3, v1  }
0xcd: {  	v3 =	vld [tilespmem:s11+$0x8DB0]  }
0xce: {  	v1 =	vadd.f32 v2, v1;
	_ =	sdelay $0x1  }
0xcf: {  	v1 =	vadd.f32 v4, v1;
	_ =	sdelay $0x1  }
0xd0: {  	v1 =	vadd.f32 v3, v1;
	_ =	sdelay $0x1  }
0xd1: {  	[tilespmem:s9+$0x9A20] =	vst v1  }
0xd2: {  	_ =	swait.ge [sflag:s30], $0x640  }
0xd3: {  	[sflag:s30] =	ssyncset.done $0x0  }
0xd4: {  	[sflag:s30] =	ssyncadd.s32 $0xFFFFF9C0  }
0xd5: {  	_ =	swait.ge [sflag:s30], $0x640  }
0xd6: {  	s12 =	simm.s32 @!p0 $0x64;
	[sflag:s30] =	ssyncset.done $0x0  }
0xd7: {  	s13 =	simm.s32 @!p0 $0x8D80;
	s11 =	sadd.s32 @!p0 $0x5B0, s2;
	[sflag:s30] =	ssyncadd.s32 $0xFFFFF9C0  }
0xd8: {  	[tilespmem:s13], [sflag:$0x4] =	stream.indirect.gather @!p0 [hbm4b:s4+s12], $0x10, s11, s12, $0xb8;
	[tilespmem:$0xA210] =	vst v63  }
0xd9: {  	s2 =	sadd.s32 @!p0 $0x618, s2;
	s11 =	simm.s32 @!p0 $0x93C0;
	s13 =	simm.s32 $0xFFFFF9C0  }
0xda: {  	[tilespmem:s11], [sflag:$0x4] =	stream.indirect.gather @!p0 [hbm4b:s4+s12], $0x10, s2, s12, $0xb8;
	[tilespmem:$0xA210] =	vst v63  }
0xdb: {  	v1 =	vld [tilespmem:s13+$0x93C0];
	_ =	sdelay $0x1  }
0xdc: {  	v2 =	vld [tilespmem:s13+$0x9A00];
	_ =	sdelay $0x1  }
0xdd: {  	v3 =	vld [tilespmem:s13+$0x93D0]  }
0xde: {  	v1 =	vadd.f32 v1, v0  }
0xdf: {  	v4 =	vld [tilespmem:s13+$0x9A10]  }
0xe0: {  	v1 =	vadd.f32 v2, v1  }
0xe1: {  	v2 =	vld [tilespmem:s13+$0x93E0]  }
0xe2: {  	v1 =	vadd.f32 v3, v1;
	_ =	sdelay $0x1  }
0xe3: {  	v3 =	vld [tilespmem:s13+$0x9A20];
	v1 =	vadd.f32 v4, v1;
	_ =	sdelay $0x1  }
0xe4: {  	v4 =	vadd.f32 v2, v1;
	v2 =	vld [tilespmem:s13+$0x93F0];
	_ =	sdelay $0x1  }
0xe5: {  	v1 =	vld [tilespmem:s13+$0x9A30]  }
0xe6: {  	s2 =	simm.s32 $0xFFFFFA00;
	s11 =	simm.s32 $0xFFFFE900;
	v3 =	vadd.f32 v3, v4  }
.LBB2_9:
0xe7: {  	p0 =	sne.s32 s11, $0xFFFFFF00;
	v4 =	vld [tilespmem:s2+$0x93C0]  }
0xe8: {  	v2 =	vadd.f32 v2, v3  }
0xe9: {  	v3 =	vld [tilespmem:s2+$0x9A00]  }
0xea: {  	v1 =	vadd.f32 v1, v2  }
0xeb: {  	v2 =	vld [tilespmem:s2+$0x93D0]  }
0xec: {  	v1 =	vadd.f32 v4, v1  }
0xed: {  	v4 =	vld [tilespmem:s2+$0x9A10]  }
0xee: {  	v1 =	vadd.f32 v3, v1  }
0xef: {  	v3 =	vld [tilespmem:s2+$0x93E0]  }
0xf0: {  	v1 =	vadd.f32 v2, v1  }
0xf1: {  	v5 =	vld [tilespmem:s2+$0x9A20]  }
.Ltmp3:
0xf2: {  	v1 =	vadd.f32 v4, v1;
	(pc) =	sbr.rel @p0 .LBB2_9-.Ltmp3, $4  }
0xf3: {  	v2 =	vld [tilespmem:s2+$0x93F0]  }
0xf4: {  	v3 =	vadd.f32 v3, v1  }
0xf5: {  	v1 =	vld [tilespmem:s2+$0x9A30]  }
0xf6: {  	s2 =	sshra.s32 s11, $0x2;
	s11 =	sadd.s32 $0x100, s11;
	v3 =	vadd.f32 v5, v3  }
0xf7: {  	v4 =	vld [tilespmem:s2+$0x93C0]  }
0xf8: {  	v2 =	vadd.f32 v2, v3  }
0xf9: {  	v3 =	vld [tilespmem:s2+$0x9A00]  }
0xfa: {  	v1 =	vadd.f32 v1, v2  }
0xfb: {  	v2 =	vld [tilespmem:s2+$0x93D0]  }
0xfc: {  	v1 =	vadd.f32 v4, v1  }
0xfd: {  	v62 =	vld [tilespmem:s2+$0x9A10]  }
0xfe: {  	v1 =	vadd.f32 v3, v1  }
0xff: {  	v3 =	vld [tilespmem:s2+$0x93E0]  }
0x100: {  	v1 =	vadd.f32 v2, v1  }
0x101: {  	v2 =	vld [tilespmem:s2+$0x9A20]  }
0x102: {  	v1 =	vadd.f32 v62, v1  }
0x103: {  	v63 =	vld [tilespmem:s2+$0x93F0]  }
0x104: {  	v1 =	vadd.f32 v3, v1  }
0x105: {  	v3 =	vld [tilespmem:s2+$0x9A30]  }
0x106: {  	s0 =	sadd.s32 $0x1, s0;
	v1 =	vadd.f32 v2, v1  }
0x107: {  	p0 =	sne.s32 s0, $0x20  }
.Ltmp4:
0x108: {  	v1 =	vadd.f32 v63, v1;
	(pc) =	sbr.rel @p0 .LBB2_2-.Ltmp4, $3  }
0x109: {  	_ = 	snop  }
0x10a: {  	v1 =	vadd.f32 v3, v1;
	_ =	sdelay $0x1  }
0x10b: {  	[tilespmem:s9+$0x9A30] =	vst v1  }
0x10c: {  	s1 =	sadd.s32 $0x1, s1  }
0x10d: {  	p0 =	sne.s32 s1, s7  }
.Ltmp5:
0x10e: {  	_ = 	snop;
	(pc) =	sbr.rel @p0 .LBB2_1-.Ltmp5, $4  }
0x10f: {  	[hbm4b:s6+s3] =	stream.linear.scatter [tilespmem:s31], [sflag:$0x5], $0x800, $0x38;
	[tilespmem:$0xA210] =	vst v63  }
0x110: {  	_ =	swait.ge [sflag:s8], $0x800  }
0x111: {  	[sflag:s8] =	ssyncset.done $0x0  }
0x112: {  	[sflag:s8] =	ssyncadd.s32 $0xFFFFF800  }
0x113: {  	_ =	sfence.sel $0x180000  }
0x114: {  	[bflag:$0x0] =	sbarrier.arrive $0xFFFF  }
0x115: {  	_ =	strace $0x90000047  }
0x116: {  	s0 =	stileid.u32;
	[bflag:$0x2] =	sbarrier.arrive $0xFFFF  }
0x117: {  	p0 =	sne.s32 s0, $0x0;
	s0 =	rddreg [dreg:$0x3]  }
0x118: {  	s0 =	sadd.s32 @!p0 $0x100000, s0  }
0x119: {  	[sflag:s0] =	ssyncadd.tile.s32 @!p0 $0x1;
	_ =	shalt  }
.Lfunc_end2:
_tile_overlayer_lowered:
.L_overlay_start_2:
0x11a: {  	(tag) =	ssettag $0x2  }
0x11b: {  	s0 =	rddreg [dreg:$0x0];
	s2 =	stileid.u32  }
0x11c: {  	s1 =	rddreg [dreg:$0x1];
	p0 =	sne.s32 s2, $0x0  }
0x11d: {  	s3 =	rddreg [dreg:$0x2];
	[bflag:$0x3] =	sbarrier.arrive $0xFFFF;
	s2 =	simm.s32 @!p0 $0x1C05  }
0x11e: {  	[timem:s3], [sflag:s2] =	dma.local @!p0 [hbm:s0], s1  }
0x11f: {  	s0 =	simm.s32 @!p0 $0x5  }
0x120: {  	_ =	swait.ge @!p0 [sflag:s0], s1  }
0x121: {  	s1 =	ssub.s32 @!p0 $0x0, s1;
	[sflag:s0] =	ssyncset.done @!p0 $0x0  }
0x122: {  	[sflag:s0] =	ssyncadd.s32 @!p0 s1  }
0x123: {  	[bflag:$0x3] =	sbarrier.arrive $0xFFFF  }
0x124: {  	_ =	shalt  }

</sc_bundles>
